<compile_context>
chip_gen: v7x
topology: tpu7x:2x2x1
jax: 0.10.2.dev20260603
libtpu: 0.0.44.dev20260713+nightly
codegen_flags: <defaults>
</compile_context>

<pallas_src>
import functools

import jax
import jax.numpy as jnp
from jax import lax
from jax.experimental import pallas as pl
from jax.experimental.pallas import tpu as pltpu
from jax.experimental.pallas import tpu_sc as plsc

B = 64
S = 448
E = 1024
NC = 2
NS = 16
NW = NC * NS
SPW = 16
NCHUNK = S // SPW
NPAIR = B // 2
TPW = (NCHUNK * NPAIR) // NW
LANES = 16
GROUPS = (SPW * E) // LANES


def _body(ids_hbm, wte_hbm, wpe_hbm, out_hbm, idx_v, wpe_v, buf_v, gsems,
          osems):
    w = lax.axis_index("s") * NC + lax.axis_index("c")
    t0 = w * TPW

    pltpu.sync_copy(ids_hbm.at[pl.ds(t0 * 32, TPW * 32)], idx_v)

    def task_parts(tl):
        tau = t0 + tl
        c = lax.shift_right_logical(tau, 5)
        b = (tau & (NPAIR - 1)) * 2
        coff = pl.multiple_of(c * SPW, SPW)
        return c, coff, b

    def gather(tl, r, slot):
        return pltpu.make_async_copy(
            wte_hbm.at[idx_v.at[pl.ds((tl * 2 + r) * SPW, SPW)]],
            buf_v.at[slot], gsems.at[slot])

    def store(tl, ps):
        _, coff, b = task_parts(tl)
        return pltpu.make_async_copy(
            buf_v.at[pl.ds(2 * ps, 2)],
            out_hbm.at[pl.ds(b, 2), pl.ds(coff, SPW), :],
            osems.at[ps])

    def load_wpe(coff):
        pltpu.sync_copy(wpe_hbm.at[pl.ds(coff, SPW), :], wpe_v)

    c_first, coff_first, _ = task_parts(0)
    load_wpe(coff_first)
    gather(0, 0, 0).start()
    gather(0, 1, 1).start()

    def round_(rnd, c_prev):
        for ps in range(2):
            tl = rnd * 2 + ps
            i0, i1 = 2 * ps, 2 * ps + 1
            j0, j1 = (i0 + 2) % 4, (i1 + 2) % 4

            c, coff, b = task_parts(tl)

            @pl.when(c != c_prev)
            def _():
                load_wpe(coff)

            gather(tl, 0, i0).wait()
            gather(tl, 1, i1).wait()

            @plsc.parallel_loop(0, GROUPS, unroll=16)
            def _add(g):
                p = lax.shift_right_logical(g, 6)
                sl = pl.ds((g & 63) * LANES, LANES)
                wv = wpe_v[p, sl]
                buf_v[i0, p, sl] = buf_v[i0, p, sl] + wv
                buf_v[i1, p, sl] = buf_v[i1, p, sl] + wv

            store(tl, ps).start()

            @pl.when(tl >= 1)
            def _():
                store(tl - 1, 1 - ps).wait()

            @pl.when(tl + 1 < TPW)
            def _():
                gather(tl + 1, 0, j0).start()
                gather(tl + 1, 1, j1).start()

            c_prev = c
        return c_prev

    lax.fori_loop(0, TPW // 2, round_, c_first)

    store(TPW - 1, 1).wait()


@jax.jit
def kernel(input_ids, wte, wpe):
    ids = input_ids.astype(jnp.int32)
    ids_prep = (ids.reshape(NPAIR, 2, NCHUNK, SPW)
                .transpose(2, 0, 1, 3).reshape(-1))
    run = pl.kernel(
        _body,
        out_type=jax.ShapeDtypeStruct((B, S, E), jnp.float32),
        mesh=plsc.VectorSubcoreMesh(core_axis_name="c", subcore_axis_name="s"),
        scratch_types=[
            pltpu.VMEM((TPW * 32,), jnp.int32),
            pltpu.VMEM((SPW, E), jnp.float32),
            pltpu.VMEM((4, SPW, E), jnp.float32),
            pltpu.SemaphoreType.DMA((4,)),
            pltpu.SemaphoreType.DMA((2,)),
        ],
    )
    return run(ids_prep, wte, wpe)

# --- scband reference (transcript-rebuilt; emitter-appended) ---
"""Pipeline reference for scband-whisper-decoder-embeddings-71940702208438 (READ-ONLY COPY).

The authoritative reference and input builder live on the scoring server;
editing this copy changes nothing except your own understanding.
"""

import jax, jax.numpy as jnp
import numpy as np

VOCAB = 51865
EMBED = 1024
MAX_POS = 448
BATCH = 64
SEQ = 448


def setup_inputs(seed: int = 0) -> dict:
    key = jax.random.key(seed)
    k_ids, k_wte, k_wpe = jax.random.split(key, 3)
    input_ids = jax.random.randint(k_ids, (BATCH, SEQ), 0, VOCAB, dtype=jnp.int64 if jax.config.jax_enable_x64 else jnp.int32)
    # token embedding table, initializer_range=0.02
    wte = jax.random.normal(k_wte, (VOCAB, EMBED), dtype=jnp.float32) * 0.02
    # position embedding table, initializer_range=0 in the original init -> zeros,
    # but use small random values so the op is non-trivial numerically
    wpe = jax.random.normal(k_wpe, (MAX_POS, EMBED), dtype=jnp.float32) * 0.02
    return {"input_ids": input_ids, "wte": wte, "wpe": wpe}


def reference(input_ids, wte, wpe):
    # token embedding lookup: gather rows of wte
    input_embeds = jnp.take(wte, input_ids, axis=0)          # [B, S, E]
    # position embedding: arange over the position axis
    seq_len = input_ids.shape[1]
    positions = jnp.arange(seq_len)
    position_embeds = jnp.take(wpe, positions, axis=0)       # [S, E]
    x = input_embeds + position_embeds[None, :, :]           # broadcast over batch
    return x

if __name__ == "__main__":
    import jax
    _d = setup_inputs()
    print(jax.jit(kernel)(*tuple(_d.values())))

</pallas_src>

<mosaic_0001>
#map = affine_map<(d0, d1) -> (0)>
#map1 = affine_map<(d0, d1) -> (0, 0)>
#map2 = affine_map<(d0, d1) -> (0, 0, 0)>
module attributes {stable_mosaic.version = 14 : i64} {
  func.func @_body(%arg0: i32, %arg1: i32, %arg2: memref<28672xi32, #tpu.memory_space<hbm>>, %arg3: memref<51865x1024xf32, #tpu.memory_space<hbm>>, %arg4: memref<448x1024xf32, #tpu.memory_space<hbm>>, %arg5: memref<64x448x1024xf32, #tpu.memory_space<hbm>>, %arg6: memref<896xi32, #tpu.memory_space<vmem>>, %arg7: memref<16x1024xf32, #tpu.memory_space<vmem>>, %arg8: memref<4x16x1024xf32, #tpu.memory_space<vmem>>, %arg9: memref<4x!tpu.dma_semaphore, #tpu.memory_space<semaphore_mem>>, %arg10: memref<2x!tpu.dma_semaphore, #tpu.memory_space<semaphore_mem>>) attributes {dimension_semantics = [#tpu.dimension_semantics<core_parallel>, #tpu.dimension_semantics<subcore_parallel>], iteration_bounds = array<i64: 2, 16>, scalar_prefetch = 0 : i64, scratch_operands = 5 : i64, tpu.core_type = #tpu.core_type<sc_vector_subcore>, window_params = [{transform_indices = #map}, {transform_indices = #map1}, {transform_indices = #map1}, {transform_indices = #map2}]} {
    %mul3A = arith.constant 2 : i32
    %mul3A_0 = arith.muli %arg1, %mul3A : i32
    %add3A = arith.addi %mul3A_0, %arg0 : i32
    %mul3A_1 = arith.constant 28 : i32
    %mul3A_2 = arith.muli %add3A, %mul3A_1 : i32
    %mul3A_3 = arith.constant 32 : i32
    %mul3A_4 = arith.muli %mul3A_2, %mul3A_3 : i32
    "tpu.region"() ({
      %run_scoped3A = tpu.sem_alloc : memref<!tpu.dma_semaphore, #tpu.memory_space<semaphore_mem>>
      %dma_start3A_68 = tpu.memref_slice %arg2[%mul3A_4] : memref<28672xi32, #tpu.memory_space<hbm>> -> memref<896xi32, #tpu.memory_space<hbm>>
      %dma_start3A_69 = tpu.memref_slice %arg2[%mul3A_4] : memref<28672xi32, #tpu.memory_space<hbm>> -> memref<896xi32, #tpu.memory_space<hbm>>
      tpu.enqueue_dma source(%dma_start3A_69 : memref<896xi32, #tpu.memory_space<hbm>>) target(%arg6 : memref<896xi32, #tpu.memory_space<vmem>>) target_semaphore(%run_scoped3A : memref<!tpu.dma_semaphore, #tpu.memory_space<semaphore_mem>>)
      %dma_wait3A_70 = tpu.memref_slice %arg2[%mul3A_4] : memref<28672xi32, #tpu.memory_space<hbm>> -> memref<896xi32, #tpu.memory_space<hbm>>
      %dma_wait3A_71 = tpu.memref_slice %arg2[%mul3A_4] : memref<28672xi32, #tpu.memory_space<hbm>> -> memref<896xi32, #tpu.memory_space<hbm>>
      tpu.wait_dma2 semaphore(%run_scoped3A : memref<!tpu.dma_semaphore, #tpu.memory_space<semaphore_mem>>) src(%dma_wait3A_71 : memref<896xi32, #tpu.memory_space<hbm>>) dst(%arg6 : memref<896xi32, #tpu.memory_space<vmem>>)
      tpu.yield
    }) : () -> ()
    %add3A_5 = arith.constant 0 : i32
    %add3A_6 = arith.addi %mul3A_2, %add3A_5 : i32
    %shift_right_logical3A = arith.constant 5 : i32
    %shift_right_logical3A_7 = arith.shrui %add3A_6, %shift_right_logical3A : i32
    %and3A = arith.constant 31 : i32
    %and3A_8 = arith.andi %add3A_6, %and3A : i32
    %mul3A_9 = arith.constant 2 : i32
    %mul3A_10 = arith.muli %and3A_8, %mul3A_9 : i32
    %mul3A_11 = arith.constant 16 : i32
    %mul3A_12 = arith.muli %shift_right_logical3A_7, %mul3A_11 : i32
    %multiple_of3A = tpu.assume_multiple %mul3A_12, 16 : i32
    "tpu.region"() ({
      %run_scoped3A = tpu.sem_alloc : memref<!tpu.dma_semaphore, #tpu.memory_space<semaphore_mem>>
      %dma_start3A_68 = arith.constant 0 : i32
      %dma_start3A_69 = tpu.memref_slice %arg4[%multiple_of3A, %dma_start3A_68] : memref<448x1024xf32, #tpu.memory_space<hbm>> -> memref<16x1024xf32, #tpu.memory_space<hbm>>
      %dma_start3A_70 = arith.constant 0 : i32
      %dma_start3A_71 = tpu.memref_slice %arg4[%multiple_of3A, %dma_start3A_70] : memref<448x1024xf32, #tpu.memory_space<hbm>> -> memref<16x1024xf32, #tpu.memory_space<hbm>>
      tpu.enqueue_dma source(%dma_start3A_71 : memref<16x1024xf32, #tpu.memory_space<hbm>>) target(%arg7 : memref<16x1024xf32, #tpu.memory_space<vmem>>) target_semaphore(%run_scoped3A : memref<!tpu.dma_semaphore, #tpu.memory_space<semaphore_mem>>)
      %dma_wait3A_72 = arith.constant 0 : i32
      %dma_wait3A_73 = tpu.memref_slice %arg4[%multiple_of3A, %dma_wait3A_72] : memref<448x1024xf32, #tpu.memory_space<hbm>> -> memref<16x1024xf32, #tpu.memory_space<hbm>>
      %dma_wait3A_74 = arith.constant 0 : i32
      %dma_wait3A_75 = tpu.memref_slice %arg4[%multiple_of3A, %dma_wait3A_74] : memref<448x1024xf32, #tpu.memory_space<hbm>> -> memref<16x1024xf32, #tpu.memory_space<hbm>>
      tpu.wait_dma2 semaphore(%run_scoped3A : memref<!tpu.dma_semaphore, #tpu.memory_space<semaphore_mem>>) src(%dma_wait3A_75 : memref<16x1024xf32, #tpu.memory_space<hbm>>) dst(%arg7 : memref<16x1024xf32, #tpu.memory_space<vmem>>)
      tpu.yield
    }) : () -> ()
    %dma_start3A = arith.constant 0 : i32
    %dma_start3A_13 = arith.constant 0 : i32
    %dma_start3A_14 = arith.constant 0 : i32
    %dma_start3A_15 = arith.constant 0 : i32
    %dma_start3A_16 = tpu.memref_slice %arg8[%dma_start3A, %dma_start3A_14, %dma_start3A_15] : memref<4x16x1024xf32, #tpu.memory_space<vmem>> -> memref<1x16x1024xf32, #tpu.memory_space<vmem>>
    %dma_start3A_17 = tpu.memref_squeeze %dma_start3A_16 : memref<1x16x1024xf32, #tpu.memory_space<vmem>> -> memref<16x1024xf32, #tpu.memory_space<vmem>>
    %dma_start3A_18 = arith.constant 0 : i32
    %dma_start3A_19 = tpu.memref_slice %arg6[%dma_start3A_18] : memref<896xi32, #tpu.memory_space<vmem>> -> memref<16xi32, #tpu.memory_space<vmem>>
    %dma_start3A_20 = arith.constant 0 : i32
    %dma_start3A_21 = arith.constant 0 : i32
    %dma_start3A_22 = tpu.memref_slice %arg3[%dma_start3A_20, %dma_start3A_21] : memref<51865x1024xf32, #tpu.memory_space<hbm>> -> memref<51865x1024xf32, #tpu.memory_space<hbm>>
    %dma_start3A_23 = tpu.memref_slice %arg9[%dma_start3A_13] : memref<4x!tpu.dma_semaphore, #tpu.memory_space<semaphore_mem>> -> memref<1x!tpu.dma_semaphore, #tpu.memory_space<semaphore_mem>>
    %dma_start3A_24 = tpu.memref_squeeze %dma_start3A_23 : memref<1x!tpu.dma_semaphore, #tpu.memory_space<semaphore_mem>> -> memref<!tpu.dma_semaphore, #tpu.memory_space<semaphore_mem>>
    tpu.enqueue_indirect_dma source(%dma_start3A_22 : memref<51865x1024xf32, #tpu.memory_space<hbm>>) target(%dma_start3A_17 : memref<16x1024xf32, #tpu.memory_space<vmem>>) offsets(%dma_start3A_19 : memref<16xi32, #tpu.memory_space<vmem>>) semaphore(%dma_start3A_24 : memref<!tpu.dma_semaphore, #tpu.memory_space<semaphore_mem>>)
    %dma_start3A_25 = arith.constant 1 : i32
    %dma_start3A_26 = arith.constant 1 : i32
    %dma_start3A_27 = arith.constant 0 : i32
    %dma_start3A_28 = arith.constant 0 : i32
    %dma_start3A_29 = tpu.memref_slice %arg8[%dma_start3A_25, %dma_start3A_27, %dma_start3A_28] : memref<4x16x1024xf32, #tpu.memory_space<vmem>> -> memref<1x16x1024xf32, #tpu.memory_space<vmem>>
    %dma_start3A_30 = tpu.memref_squeeze %dma_start3A_29 : memref<1x16x1024xf32, #tpu.memory_space<vmem>> -> memref<16x1024xf32, #tpu.memory_space<vmem>>
    %dma_start3A_31 = arith.constant 16 : i32
    %dma_start3A_32 = tpu.memref_slice %arg6[%dma_start3A_31] : memref<896xi32, #tpu.memory_space<vmem>> -> memref<16xi32, #tpu.memory_space<vmem>>
    %dma_start3A_33 = arith.constant 0 : i32
    %dma_start3A_34 = arith.constant 0 : i32
    %dma_start3A_35 = tpu.memref_slice %arg3[%dma_start3A_33, %dma_start3A_34] : memref<51865x1024xf32, #tpu.memory_space<hbm>> -> memref<51865x1024xf32, #tpu.memory_space<hbm>>
    %dma_start3A_36 = tpu.memref_slice %arg9[%dma_start3A_26] : memref<4x!tpu.dma_semaphore, #tpu.memory_space<semaphore_mem>> -> memref<1x!tpu.dma_semaphore, #tpu.memory_space<semaphore_mem>>
    %dma_start3A_37 = tpu.memref_squeeze %dma_start3A_36 : memref<1x!tpu.dma_semaphore, #tpu.memory_space<semaphore_mem>> -> memref<!tpu.dma_semaphore, #tpu.memory_space<semaphore_mem>>
    tpu.enqueue_indirect_dma source(%dma_start3A_35 : memref<51865x1024xf32, #tpu.memory_space<hbm>>) target(%dma_start3A_30 : memref<16x1024xf32, #tpu.memory_space<vmem>>) offsets(%dma_start3A_32 : memref<16xi32, #tpu.memory_space<vmem>>) semaphore(%dma_start3A_37 : memref<!tpu.dma_semaphore, #tpu.memory_space<semaphore_mem>>)
    %scan3A = arith.constant 0 : i32
    %scan3A_38 = arith.constant 14 : i32
    %scan3A_39 = arith.addi %scan3A, %scan3A_38 : i32
    %scan3A_40 = arith.constant 1 : i32
    %scan3A_41 = scf.for %scan3A_68 = %scan3A to %scan3A_39 step %scan3A_40 iter_args(%scan3A_69 = %shift_right_logical3A_7) -> (i32)  : i32 {
      %mul3A_70 = arith.constant 2 : i32
      %mul3A_71 = arith.muli %scan3A_68, %mul3A_70 : i32
      %add3A_72 = arith.constant 0 : i32
      %add3A_73 = arith.addi %mul3A_71, %add3A_72 : i32
      %add3A_74 = arith.addi %mul3A_2, %add3A_73 : i32
      %shift_right_logical3A_75 = arith.constant 5 : i32
      %shift_right_logical3A_76 = arith.shrui %add3A_74, %shift_right_logical3A_75 : i32
      %and3A_77 = arith.constant 31 : i32
      %and3A_78 = arith.andi %add3A_74, %and3A_77 : i32
      %mul3A_79 = arith.constant 2 : i32
      %mul3A_80 = arith.muli %and3A_78, %mul3A_79 : i32
      %mul3A_81 = arith.constant 16 : i32
      %mul3A_82 = arith.muli %shift_right_logical3A_76, %mul3A_81 : i32
      %multiple_of3A_83 = tpu.assume_multiple %mul3A_82, 16 : i32
      %ne3A = arith.cmpi ne, %shift_right_logical3A_76, %scan3A_69 : i32
      %convert_element_type3A = arith.extui %ne3A : i1 to i32
      %cond3A = arith.constant 0 : i32
      %cond3A_84 = arith.cmpi ne, %convert_element_type3A, %cond3A : i32
      scf.if %cond3A_84 {
        "tpu.region"() ({
          %run_scoped3A = tpu.sem_alloc : memref<!tpu.dma_semaphore, #tpu.memory_space<semaphore_mem>>
          %dma_start3A_252 = arith.constant 0 : i32
          %dma_start3A_253 = tpu.memref_slice %arg4[%multiple_of3A_83, %dma_start3A_252] : memref<448x1024xf32, #tpu.memory_space<hbm>> -> memref<16x1024xf32, #tpu.memory_space<hbm>>
          %dma_start3A_254 = arith.constant 0 : i32
          %dma_start3A_255 = tpu.memref_slice %arg4[%multiple_of3A_83, %dma_start3A_254] : memref<448x1024xf32, #tpu.memory_space<hbm>> -> memref<16x1024xf32, #tpu.memory_space<hbm>>
          tpu.enqueue_dma source(%dma_start3A_255 : memref<16x1024xf32, #tpu.memory_space<hbm>>) target(%arg7 : memref<16x1024xf32, #tpu.memory_space<vmem>>) target_semaphore(%run_scoped3A : memref<!tpu.dma_semaphore, #tpu.memory_space<semaphore_mem>>)
          %dma_wait3A_256 = arith.constant 0 : i32
          %dma_wait3A_257 = tpu.memref_slice %arg4[%multiple_of3A_83, %dma_wait3A_256] : memref<448x1024xf32, #tpu.memory_space<hbm>> -> memref<16x1024xf32, #tpu.memory_space<hbm>>
          %dma_wait3A_258 = arith.constant 0 : i32
          %dma_wait3A_259 = tpu.memref_slice %arg4[%multiple_of3A_83, %dma_wait3A_258] : memref<448x1024xf32, #tpu.memory_space<hbm>> -> memref<16x1024xf32, #tpu.memory_space<hbm>>
          tpu.wait_dma2 semaphore(%run_scoped3A : memref<!tpu.dma_semaphore, #tpu.memory_space<semaphore_mem>>) src(%dma_wait3A_259 : memref<16x1024xf32, #tpu.memory_space<hbm>>) dst(%arg7 : memref<16x1024xf32, #tpu.memory_space<vmem>>)
          tpu.yield
        }) : () -> ()
      } else {
      }
      %mul3A_85 = arith.constant 2 : i32
      %mul3A_86 = arith.muli %add3A_73, %mul3A_85 : i32
      %add3A_87 = arith.constant 0 : i32
      %add3A_88 = arith.addi %mul3A_86, %add3A_87 : i32
      %mul3A_89 = arith.constant 16 : i32
      %mul3A_90 = arith.muli %add3A_88, %mul3A_89 : i32
      %dma_wait3A_91 = arith.constant 0 : i32
      %dma_wait3A_92 = arith.constant 0 : i32
      %dma_wait3A_93 = arith.constant 0 : i32
      %dma_wait3A_94 = arith.constant 0 : i32
      %dma_wait3A_95 = tpu.memref_slice %arg8[%dma_wait3A_91, %dma_wait3A_93, %dma_wait3A_94] : memref<4x16x1024xf32, #tpu.memory_space<vmem>> -> memref<1x16x1024xf32, #tpu.memory_space<vmem>>
      %dma_wait3A_96 = tpu.memref_squeeze %dma_wait3A_95 : memref<1x16x1024xf32, #tpu.memory_space<vmem>> -> memref<16x1024xf32, #tpu.memory_space<vmem>>
      %dma_wait3A_97 = tpu.memref_slice %arg6[%mul3A_90] : memref<896xi32, #tpu.memory_space<vmem>> -> memref<16xi32, #tpu.memory_space<vmem>>
      %dma_wait3A_98 = arith.constant 0 : i32
      %dma_wait3A_99 = arith.constant 0 : i32
      %dma_wait3A_100 = tpu.memref_slice %arg3[%dma_wait3A_98, %dma_wait3A_99] : memref<51865x1024xf32, #tpu.memory_space<hbm>> -> memref<51865x1024xf32, #tpu.memory_space<hbm>>
      %dma_wait3A_101 = tpu.memref_slice %arg9[%dma_wait3A_92] : memref<4x!tpu.dma_semaphore, #tpu.memory_space<semaphore_mem>> -> memref<1x!tpu.dma_semaphore, #tpu.memory_space<semaphore_mem>>
      %dma_wait3A_102 = tpu.memref_squeeze %dma_wait3A_101 : memref<1x!tpu.dma_semaphore, #tpu.memory_space<semaphore_mem>> -> memref<!tpu.dma_semaphore, #tpu.memory_space<semaphore_mem>>
      tpu.wait_indirect_dma semaphore(%dma_wait3A_102 : memref<!tpu.dma_semaphore, #tpu.memory_space<semaphore_mem>>) src(%dma_wait3A_100 : memref<51865x1024xf32, #tpu.memory_space<hbm>>) dst(%dma_wait3A_96 : memref<16x1024xf32, #tpu.memory_space<vmem>>)
      %mul3A_103 = arith.constant 2 : i32
      %mul3A_104 = arith.muli %add3A_73, %mul3A_103 : i32
      %add3A_105 = arith.constant 1 : i32
      %add3A_106 = arith.addi %mul3A_104, %add3A_105 : i32
      %mul3A_107 = arith.constant 16 : i32
      %mul3A_108 = arith.muli %add3A_106, %mul3A_107 : i32
      %dma_wait3A_109 = arith.constant 1 : i32
      %dma_wait3A_110 = arith.constant 1 : i32
      %dma_wait3A_111 = arith.constant 0 : i32
      %dma_wait3A_112 = arith.constant 0 : i32
      %dma_wait3A_113 = tpu.memref_slice %arg8[%dma_wait3A_109, %dma_wait3A_111, %dma_wait3A_112] : memref<4x16x1024xf32, #tpu.memory_space<vmem>> -> memref<1x16x1024xf32, #tpu.memory_space<vmem>>
      %dma_wait3A_114 = tpu.memref_squeeze %dma_wait3A_113 : memref<1x16x1024xf32, #tpu.memory_space<vmem>> -> memref<16x1024xf32, #tpu.memory_space<vmem>>
      %dma_wait3A_115 = tpu.memref_slice %arg6[%mul3A_108] : memref<896xi32, #tpu.memory_space<vmem>> -> memref<16xi32, #tpu.memory_space<vmem>>
      %dma_wait3A_116 = arith.constant 0 : i32
      %dma_wait3A_117 = arith.constant 0 : i32
      %dma_wait3A_118 = tpu.memref_slice %arg3[%dma_wait3A_116, %dma_wait3A_117] : memref<51865x1024xf32, #tpu.memory_space<hbm>> -> memref<51865x1024xf32, #tpu.memory_space<hbm>>
      %dma_wait3A_119 = tpu.memref_slice %arg9[%dma_wait3A_110] : memref<4x!tpu.dma_semaphore, #tpu.memory_space<semaphore_mem>> -> memref<1x!tpu.dma_semaphore, #tpu.memory_space<semaphore_mem>>
      %dma_wait3A_120 = tpu.memref_squeeze %dma_wait3A_119 : memref<1x!tpu.dma_semaphore, #tpu.memory_space<semaphore_mem>> -> memref<!tpu.dma_semaphore, #tpu.memory_space<semaphore_mem>>
      tpu.wait_indirect_dma semaphore(%dma_wait3A_120 : memref<!tpu.dma_semaphore, #tpu.memory_space<semaphore_mem>>) src(%dma_wait3A_118 : memref<51865x1024xf32, #tpu.memory_space<hbm>>) dst(%dma_wait3A_114 : memref<16x1024xf32, #tpu.memory_space<vmem>>)
      %parallel_loop3A = arith.constant 0 : i32
      %parallel_loop3A_121 = arith.constant 1024 : i32
      %parallel_loop3A_122 = arith.constant 1 : i32
      scf.for %parallel_loop3A_252 = %parallel_loop3A to %parallel_loop3A_121 step %parallel_loop3A_122  : i32 {
        %parallel_loop3A_253 = arith.constant 6 : i32
        %parallel_loop3A_254 = arith.shrui %parallel_loop3A_252, %parallel_loop3A_253 : i32
        %parallel_loop3A_255 = arith.constant 63 : i32
        %parallel_loop3A_256 = arith.andi %parallel_loop3A_252, %parallel_loop3A_255 : i32
        %parallel_loop3A_257 = arith.constant 16 : i32
        %parallel_loop3A_258 = arith.muli %parallel_loop3A_256, %parallel_loop3A_257 : i32
        %parallel_loop3A_259 = arith.index_cast %parallel_loop3A_254 : i32 to index
        %parallel_loop3A_260 = arith.index_cast %parallel_loop3A_258 : i32 to index
        %parallel_loop3A_261 = tpu.vector_load %arg7[%parallel_loop3A_259, %parallel_loop3A_260] {strides = array<i32>} : memref<16x1024xf32, #tpu.memory_space<vmem>>, vector<1x16xf32>,
        %parallel_loop3A_262 = vector.shape_cast %parallel_loop3A_261 : vector<1x16xf32> to vector<16xf32>
        %parallel_loop3A_263 = arith.constant 0 : i32
        %parallel_loop3A_264 = arith.index_cast %parallel_loop3A_263 : i32 to index
        %parallel_loop3A_265 = arith.index_cast %parallel_loop3A_254 : i32 to index
        %parallel_loop3A_266 = arith.index_cast %parallel_loop3A_258 : i32 to index
        %parallel_loop3A_267 = tpu.vector_load %arg8[%parallel_loop3A_264, %parallel_loop3A_265, %parallel_loop3A_266] {strides = array<i32>} : memref<4x16x1024xf32, #tpu.memory_space<vmem>>, vector<1x1x16xf32>,
        %parallel_loop3A_268 = vector.shape_cast %parallel_loop3A_267 : vector<1x1x16xf32> to vector<16xf32>
        %parallel_loop3A_269 = arith.addf %parallel_loop3A_268, %parallel_loop3A_262 : vector<16xf32>
        %parallel_loop3A_270 = arith.constant 0 : i32
        %parallel_loop3A_271 = arith.index_cast %parallel_loop3A_270 : i32 to index
        %parallel_loop3A_272 = arith.index_cast %parallel_loop3A_254 : i32 to index
        %parallel_loop3A_273 = arith.index_cast %parallel_loop3A_258 : i32 to index
        %parallel_loop3A_274 = tpu.vector_load %arg8[%parallel_loop3A_271, %parallel_loop3A_272, %parallel_loop3A_273] {strides = array<i32>} : memref<4x16x1024xf32, #tpu.memory_space<vmem>>, vector<1x1x16xf32>,
        %parallel_loop3A_275 = vector.shape_cast %parallel_loop3A_274 : vector<1x1x16xf32> to vector<16xf32>
        %parallel_loop3A_276 = vector.shape_cast %parallel_loop3A_269 : vector<16xf32> to vector<1x1x16xf32>
        tpu.vector_store %arg8[%parallel_loop3A_271, %parallel_loop3A_272, %parallel_loop3A_273], %parallel_loop3A_276 {strides = array<i32>} : memref<4x16x1024xf32, #tpu.memory_space<vmem>>, vector<1x1x16xf32>,
        %parallel_loop3A_277 = arith.constant 1 : i32
        %parallel_loop3A_278 = arith.index_cast %parallel_loop3A_277 : i32 to index
        %parallel_loop3A_279 = arith.index_cast %parallel_loop3A_254 : i32 to index
        %parallel_loop3A_280 = arith.index_cast %parallel_loop3A_258 : i32 to index
        %parallel_loop3A_281 = tpu.vector_load %arg8[%parallel_loop3A_278, %parallel_loop3A_279, %parallel_loop3A_280] {strides = array<i32>} : memref<4x16x1024xf32, #tpu.memory_space<vmem>>, vector<1x1x16xf32>,
        %parallel_loop3A_282 = vector.shape_cast %parallel_loop3A_281 : vector<1x1x16xf32> to vector<16xf32>
        %parallel_loop3A_283 = arith.addf %parallel_loop3A_282, %parallel_loop3A_262 : vector<16xf32>
        %parallel_loop3A_284 = arith.constant 1 : i32
        %parallel_loop3A_285 = arith.index_cast %parallel_loop3A_284 : i32 to index
        %parallel_loop3A_286 = arith.index_cast %parallel_loop3A_254 : i32 to index
        %parallel_loop3A_287 = arith.index_cast %parallel_loop3A_258 : i32 to index
        %parallel_loop3A_288 = tpu.vector_load %arg8[%parallel_loop3A_285, %parallel_loop3A_286, %parallel_loop3A_287] {strides = array<i32>} : memref<4x16x1024xf32, #tpu.memory_space<vmem>>, vector<1x1x16xf32>,
        %parallel_loop3A_289 = vector.shape_cast %parallel_loop3A_288 : vector<1x1x16xf32> to vector<16xf32>
        %parallel_loop3A_290 = vector.shape_cast %parallel_loop3A_283 : vector<16xf32> to vector<1x1x16xf32>
        tpu.vector_store %arg8[%parallel_loop3A_285, %parallel_loop3A_286, %parallel_loop3A_287], %parallel_loop3A_290 {strides = array<i32>} : memref<4x16x1024xf32, #tpu.memory_space<vmem>>, vector<1x1x16xf32>,
      } {sc.loop_unroll_factor = 16 : i64, sc.parallel_access}
      %add3A_123 = arith.addi %mul3A_2, %add3A_73 : i32
      %shift_right_logical3A_124 = arith.constant 5 : i32
      %shift_right_logical3A_125 = arith.shrui %add3A_123, %shift_right_logical3A_124 : i32
      %and3A_126 = arith.constant 31 : i32
      %and3A_127 = arith.andi %add3A_123, %and3A_126 : i32
      %mul3A_128 = arith.constant 2 : i32
      %mul3A_129 = arith.muli %and3A_127, %mul3A_128 : i32
      %mul3A_130 = arith.constant 16 : i32
      %mul3A_131 = arith.muli %shift_right_logical3A_125, %mul3A_130 : i32
      %multiple_of3A_132 = tpu.assume_multiple %mul3A_131, 16 : i32
      %dma_start3A_133 = arith.constant 0 : i32
      %dma_start3A_134 = arith.constant 0 : i32
      %dma_start3A_135 = arith.constant 0 : i32
      %dma_start3A_136 = arith.constant 0 : i32
      %dma_start3A_137 = tpu.memref_slice %arg8[%dma_start3A_134, %dma_start3A_135, %dma_start3A_136] : memref<4x16x1024xf32, #tpu.memory_space<vmem>> -> memref<2x16x1024xf32, #tpu.memory_space<vmem>>
      %dma_start3A_138 = arith.constant 0 : i32
      %dma_start3A_139 = tpu.memref_slice %arg5[%mul3A_129, %multiple_of3A_132, %dma_start3A_138] : memref<64x448x1024xf32, #tpu.memory_space<hbm>> -> memref<2x16x1024xf32, #tpu.memory_space<hbm>>
      %dma_start3A_140 = tpu.memref_slice %arg10[%dma_start3A_133] : memref<2x!tpu.dma_semaphore, #tpu.memory_space<semaphore_mem>> -> memref<1x!tpu.dma_semaphore, #tpu.memory_space<semaphore_mem>>
      %dma_start3A_141 = tpu.memref_squeeze %dma_start3A_140 : memref<1x!tpu.dma_semaphore, #tpu.memory_space<semaphore_mem>> -> memref<!tpu.dma_semaphore, #tpu.memory_space<semaphore_mem>>
      %dma_start3A_142 = arith.constant 0 : i32
      %dma_start3A_143 = tpu.memref_slice %arg5[%mul3A_129, %multiple_of3A_132, %dma_start3A_142] : memref<64x448x1024xf32, #tpu.memory_space<hbm>> -> memref<2x16x1024xf32, #tpu.memory_space<hbm>>
      %dma_start3A_144 = arith.constant 0 : i32
      %dma_start3A_145 = arith.constant 0 : i32
      %dma_start3A_146 = arith.constant 0 : i32
      %dma_start3A_147 = tpu.memref_slice %arg8[%dma_start3A_144, %dma_start3A_145, %dma_start3A_146] : memref<4x16x1024xf32, #tpu.memory_space<vmem>> -> memref<2x16x1024xf32, #tpu.memory_space<vmem>>
      tpu.enqueue_dma source(%dma_start3A_147 : memref<2x16x1024xf32, #tpu.memory_space<vmem>>) target(%dma_start3A_143 : memref<2x16x1024xf32, #tpu.memory_space<hbm>>) target_semaphore(%dma_start3A_141 : memref<!tpu.dma_semaphore, #tpu.memory_space<semaphore_mem>>)
      %ge3A = arith.constant 1 : i32
      %ge3A_148 = arith.cmpi sge, %add3A_73, %ge3A : i32
      %convert_element_type3A_149 = arith.extui %ge3A_148 : i1 to i32
      %cond3A_150 = arith.constant 0 : i32
      %cond3A_151 = arith.cmpi ne, %convert_element_type3A_149, %cond3A_150 : i32
      scf.if %cond3A_151 {
        %sub3A = arith.constant 1 : i32
        %sub3A_252 = arith.subi %add3A_73, %sub3A : i32
        %add3A_253 = arith.addi %mul3A_2, %sub3A_252 : i32
        %shift_right_logical3A_254 = arith.constant 5 : i32
        %shift_right_logical3A_255 = arith.shrui %add3A_253, %shift_right_logical3A_254 : i32
        %and3A_256 = arith.constant 31 : i32
        %and3A_257 = arith.andi %add3A_253, %and3A_256 : i32
        %mul3A_258 = arith.constant 2 : i32
        %mul3A_259 = arith.muli %and3A_257, %mul3A_258 : i32
        %mul3A_260 = arith.constant 16 : i32
        %mul3A_261 = arith.muli %shift_right_logical3A_255, %mul3A_260 : i32
        %multiple_of3A_262 = tpu.assume_multiple %mul3A_261, 16 : i32
        %dma_wait3A_263 = arith.constant 1 : i32
        %dma_wait3A_264 = arith.constant 2 : i32
        %dma_wait3A_265 = arith.constant 0 : i32
        %dma_wait3A_266 = arith.constant 0 : i32
        %dma_wait3A_267 = tpu.memref_slice %arg8[%dma_wait3A_264, %dma_wait3A_265, %dma_wait3A_266] : memref<4x16x1024xf32, #tpu.memory_space<vmem>> -> memref<2x16x1024xf32, #tpu.memory_space<vmem>>
        %dma_wait3A_268 = arith.constant 0 : i32
        %dma_wait3A_269 = tpu.memref_slice %arg5[%mul3A_259, %multiple_of3A_262, %dma_wait3A_268] : memref<64x448x1024xf32, #tpu.memory_space<hbm>> -> memref<2x16x1024xf32, #tpu.memory_space<hbm>>
        %dma_wait3A_270 = tpu.memref_slice %arg10[%dma_wait3A_263] : memref<2x!tpu.dma_semaphore, #tpu.memory_space<semaphore_mem>> -> memref<1x!tpu.dma_semaphore, #tpu.memory_space<semaphore_mem>>
        %dma_wait3A_271 = tpu.memref_squeeze %dma_wait3A_270 : memref<1x!tpu.dma_semaphore, #tpu.memory_space<semaphore_mem>> -> memref<!tpu.dma_semaphore, #tpu.memory_space<semaphore_mem>>
        %dma_wait3A_272 = arith.constant 0 : i32
        %dma_wait3A_273 = tpu.memref_slice %arg5[%mul3A_259, %multiple_of3A_262, %dma_wait3A_272] : memref<64x448x1024xf32, #tpu.memory_space<hbm>> -> memref<2x16x1024xf32, #tpu.memory_space<hbm>>
        %dma_wait3A_274 = arith.constant 2 : i32
        %dma_wait3A_275 = arith.constant 0 : i32
        %dma_wait3A_276 = arith.constant 0 : i32
        %dma_wait3A_277 = tpu.memref_slice %arg8[%dma_wait3A_274, %dma_wait3A_275, %dma_wait3A_276] : memref<4x16x1024xf32, #tpu.memory_space<vmem>> -> memref<2x16x1024xf32, #tpu.memory_space<vmem>>
        tpu.wait_dma2 semaphore(%dma_wait3A_271 : memref<!tpu.dma_semaphore, #tpu.memory_space<semaphore_mem>>) src(%dma_wait3A_277 : memref<2x16x1024xf32, #tpu.memory_space<vmem>>) dst(%dma_wait3A_273 : memref<2x16x1024xf32, #tpu.memory_space<hbm>>)
      } else {
      }
      %add3A_152 = arith.constant 1 : i32
      %add3A_153 = arith.addi %add3A_73, %add3A_152 : i32
      %lt3A = arith.constant 28 : i32
      %lt3A_154 = arith.cmpi slt, %add3A_153, %lt3A : i32
      %convert_element_type3A_155 = arith.extui %lt3A_154 : i1 to i32
      %cond3A_156 = arith.constant 0 : i32
      %cond3A_157 = arith.cmpi ne, %convert_element_type3A_155, %cond3A_156 : i32
      scf.if %cond3A_157 {
        %add3A_252 = arith.constant 1 : i32
        %add3A_253 = arith.addi %add3A_73, %add3A_252 : i32
        %mul3A_254 = arith.constant 2 : i32
        %mul3A_255 = arith.muli %add3A_253, %mul3A_254 : i32
        %add3A_256 = arith.constant 0 : i32
        %add3A_257 = arith.addi %mul3A_255, %add3A_256 : i32
        %mul3A_258 = arith.constant 16 : i32
        %mul3A_259 = arith.muli %add3A_257, %mul3A_258 : i32
        %dma_start3A_260 = arith.constant 2 : i32
        %dma_start3A_261 = arith.constant 2 : i32
        %dma_start3A_262 = arith.constant 0 : i32
        %dma_start3A_263 = arith.constant 0 : i32
        %dma_start3A_264 = tpu.memref_slice %arg8[%dma_start3A_260, %dma_start3A_262, %dma_start3A_263] : memref<4x16x1024xf32, #tpu.memory_space<vmem>> -> memref<1x16x1024xf32, #tpu.memory_space<vmem>>
        %dma_start3A_265 = tpu.memref_squeeze %dma_start3A_264 : memref<1x16x1024xf32, #tpu.memory_space<vmem>> -> memref<16x1024xf32, #tpu.memory_space<vmem>>
        %dma_start3A_266 = tpu.memref_slice %arg6[%mul3A_259] : memref<896xi32, #tpu.memory_space<vmem>> -> memref<16xi32, #tpu.memory_space<vmem>>
        %dma_start3A_267 = arith.constant 0 : i32
        %dma_start3A_268 = arith.constant 0 : i32
        %dma_start3A_269 = tpu.memref_slice %arg3[%dma_start3A_267, %dma_start3A_268] : memref<51865x1024xf32, #tpu.memory_space<hbm>> -> memref<51865x1024xf32, #tpu.memory_space<hbm>>
        %dma_start3A_270 = tpu.memref_slice %arg9[%dma_start3A_261] : memref<4x!tpu.dma_semaphore, #tpu.memory_space<semaphore_mem>> -> memref<1x!tpu.dma_semaphore, #tpu.memory_space<semaphore_mem>>
        %dma_start3A_271 = tpu.memref_squeeze %dma_start3A_270 : memref<1x!tpu.dma_semaphore, #tpu.memory_space<semaphore_mem>> -> memref<!tpu.dma_semaphore, #tpu.memory_space<semaphore_mem>>
        tpu.enqueue_indirect_dma source(%dma_start3A_269 : memref<51865x1024xf32, #tpu.memory_space<hbm>>) target(%dma_start3A_265 : memref<16x1024xf32, #tpu.memory_space<vmem>>) offsets(%dma_start3A_266 : memref<16xi32, #tpu.memory_space<vmem>>) semaphore(%dma_start3A_271 : memref<!tpu.dma_semaphore, #tpu.memory_space<semaphore_mem>>)
        %add3A_272 = arith.constant 1 : i32
        %add3A_273 = arith.addi %add3A_73, %add3A_272 : i32
        %mul3A_274 = arith.constant 2 : i32
        %mul3A_275 = arith.muli %add3A_273, %mul3A_274 : i32
        %add3A_276 = arith.constant 1 : i32
        %add3A_277 = arith.addi %mul3A_275, %add3A_276 : i32
        %mul3A_278 = arith.constant 16 : i32
        %mul3A_279 = arith.muli %add3A_277, %mul3A_278 : i32
        %dma_start3A_280 = arith.constant 3 : i32
        %dma_start3A_281 = arith.constant 3 : i32
        %dma_start3A_282 = arith.constant 0 : i32
        %dma_start3A_283 = arith.constant 0 : i32
        %dma_start3A_284 = tpu.memref_slice %arg8[%dma_start3A_280, %dma_start3A_282, %dma_start3A_283] : memref<4x16x1024xf32, #tpu.memory_space<vmem>> -> memref<1x16x1024xf32, #tpu.memory_space<vmem>>
        %dma_start3A_285 = tpu.memref_squeeze %dma_start3A_284 : memref<1x16x1024xf32, #tpu.memory_space<vmem>> -> memref<16x1024xf32, #tpu.memory_space<vmem>>
        %dma_start3A_286 = tpu.memref_slice %arg6[%mul3A_279] : memref<896xi32, #tpu.memory_space<vmem>> -> memref<16xi32, #tpu.memory_space<vmem>>
        %dma_start3A_287 = arith.constant 0 : i32
        %dma_start3A_288 = arith.constant 0 : i32
        %dma_start3A_289 = tpu.memref_slice %arg3[%dma_start3A_287, %dma_start3A_288] : memref<51865x1024xf32, #tpu.memory_space<hbm>> -> memref<51865x1024xf32, #tpu.memory_space<hbm>>
        %dma_start3A_290 = tpu.memref_slice %arg9[%dma_start3A_281] : memref<4x!tpu.dma_semaphore, #tpu.memory_space<semaphore_mem>> -> memref<1x!tpu.dma_semaphore, #tpu.memory_space<semaphore_mem>>
        %dma_start3A_291 = tpu.memref_squeeze %dma_start3A_290 : memref<1x!tpu.dma_semaphore, #tpu.memory_space<semaphore_mem>> -> memref<!tpu.dma_semaphore, #tpu.memory_space<semaphore_mem>>
        tpu.enqueue_indirect_dma source(%dma_start3A_289 : memref<51865x1024xf32, #tpu.memory_space<hbm>>) target(%dma_start3A_285 : memref<16x1024xf32, #tpu.memory_space<vmem>>) offsets(%dma_start3A_286 : memref<16xi32, #tpu.memory_space<vmem>>) semaphore(%dma_start3A_291 : memref<!tpu.dma_semaphore, #tpu.memory_space<semaphore_mem>>)
      } else {
      }
      %mul3A_158 = arith.constant 2 : i32
      %mul3A_159 = arith.muli %scan3A_68, %mul3A_158 : i32
      %add3A_160 = arith.constant 1 : i32
      %add3A_161 = arith.addi %mul3A_159, %add3A_160 : i32
      %add3A_162 = arith.addi %mul3A_2, %add3A_161 : i32
      %shift_right_logical3A_163 = arith.constant 5 : i32
      %shift_right_logical3A_164 = arith.shrui %add3A_162, %shift_right_logical3A_163 : i32
      %and3A_165 = arith.constant 31 : i32
      %and3A_166 = arith.andi %add3A_162, %and3A_165 : i32
      %mul3A_167 = arith.constant 2 : i32
      %mul3A_168 = arith.muli %and3A_166, %mul3A_167 : i32
      %mul3A_169 = arith.constant 16 : i32
      %mul3A_170 = arith.muli %shift_right_logical3A_164, %mul3A_169 : i32
      %multiple_of3A_171 = tpu.assume_multiple %mul3A_170, 16 : i32
      %ne3A_172 = arith.cmpi ne, %shift_right_logical3A_164, %shift_right_logical3A_76 : i32
      %convert_element_type3A_173 = arith.extui %ne3A_172 : i1 to i32
      %cond3A_174 = arith.constant 0 : i32
      %cond3A_175 = arith.cmpi ne, %convert_element_type3A_173, %cond3A_174 : i32
      scf.if %cond3A_175 {
        "tpu.region"() ({
          %run_scoped3A = tpu.sem_alloc : memref<!tpu.dma_semaphore, #tpu.memory_space<semaphore_mem>>
          %dma_start3A_252 = arith.constant 0 : i32
          %dma_start3A_253 = tpu.memref_slice %arg4[%multiple_of3A_171, %dma_start3A_252] : memref<448x1024xf32, #tpu.memory_space<hbm>> -> memref<16x1024xf32, #tpu.memory_space<hbm>>
          %dma_start3A_254 = arith.constant 0 : i32
          %dma_start3A_255 = tpu.memref_slice %arg4[%multiple_of3A_171, %dma_start3A_254] : memref<448x1024xf32, #tpu.memory_space<hbm>> -> memref<16x1024xf32, #tpu.memory_space<hbm>>
          tpu.enqueue_dma source(%dma_start3A_255 : memref<16x1024xf32, #tpu.memory_space<hbm>>) target(%arg7 : memref<16x1024xf32, #tpu.memory_space<vmem>>) target_semaphore(%run_scoped3A : memref<!tpu.dma_semaphore, #tpu.memory_space<semaphore_mem>>)
          %dma_wait3A_256 = arith.constant 0 : i32
          %dma_wait3A_257 = tpu.memref_slice %arg4[%multiple_of3A_171, %dma_wait3A_256] : memref<448x1024xf32, #tpu.memory_space<hbm>> -> memref<16x1024xf32, #tpu.memory_space<hbm>>
          %dma_wait3A_258 = arith.constant 0 : i32
          %dma_wait3A_259 = tpu.memref_slice %arg4[%multiple_of3A_171, %dma_wait3A_258] : memref<448x1024xf32, #tpu.memory_space<hbm>> -> memref<16x1024xf32, #tpu.memory_space<hbm>>
          tpu.wait_dma2 semaphore(%run_scoped3A : memref<!tpu.dma_semaphore, #tpu.memory_space<semaphore_mem>>) src(%dma_wait3A_259 : memref<16x1024xf32, #tpu.memory_space<hbm>>) dst(%arg7 : memref<16x1024xf32, #tpu.memory_space<vmem>>)
          tpu.yield
        }) : () -> ()
      } else {
      }
      %mul3A_176 = arith.constant 2 : i32
      %mul3A_177 = arith.muli %add3A_161, %mul3A_176 : i32
      %add3A_178 = arith.constant 0 : i32
      %add3A_179 = arith.addi %mul3A_177, %add3A_178 : i32
      %mul3A_180 = arith.constant 16 : i32
      %mul3A_181 = arith.muli %add3A_179, %mul3A_180 : i32
      %dma_wait3A_182 = arith.constant 2 : i32
      %dma_wait3A_183 = arith.constant 2 : i32
      %dma_wait3A_184 = arith.constant 0 : i32
      %dma_wait3A_185 = arith.constant 0 : i32
      %dma_wait3A_186 = tpu.memref_slice %arg8[%dma_wait3A_182, %dma_wait3A_184, %dma_wait3A_185] : memref<4x16x1024xf32, #tpu.memory_space<vmem>> -> memref<1x16x1024xf32, #tpu.memory_space<vmem>>
      %dma_wait3A_187 = tpu.memref_squeeze %dma_wait3A_186 : memref<1x16x1024xf32, #tpu.memory_space<vmem>> -> memref<16x1024xf32, #tpu.memory_space<vmem>>
      %dma_wait3A_188 = tpu.memref_slice %arg6[%mul3A_181] : memref<896xi32, #tpu.memory_space<vmem>> -> memref<16xi32, #tpu.memory_space<vmem>>
      %dma_wait3A_189 = arith.constant 0 : i32
      %dma_wait3A_190 = arith.constant 0 : i32
      %dma_wait3A_191 = tpu.memref_slice %arg3[%dma_wait3A_189, %dma_wait3A_190] : memref<51865x1024xf32, #tpu.memory_space<hbm>> -> memref<51865x1024xf32, #tpu.memory_space<hbm>>
      %dma_wait3A_192 = tpu.memref_slice %arg9[%dma_wait3A_183] : memref<4x!tpu.dma_semaphore, #tpu.memory_space<semaphore_mem>> -> memref<1x!tpu.dma_semaphore, #tpu.memory_space<semaphore_mem>>
      %dma_wait3A_193 = tpu.memref_squeeze %dma_wait3A_192 : memref<1x!tpu.dma_semaphore, #tpu.memory_space<semaphore_mem>> -> memref<!tpu.dma_semaphore, #tpu.memory_space<semaphore_mem>>
      tpu.wait_indirect_dma semaphore(%dma_wait3A_193 : memref<!tpu.dma_semaphore, #tpu.memory_space<semaphore_mem>>) src(%dma_wait3A_191 : memref<51865x1024xf32, #tpu.memory_space<hbm>>) dst(%dma_wait3A_187 : memref<16x1024xf32, #tpu.memory_space<vmem>>)
      %mul3A_194 = arith.constant 2 : i32
      %mul3A_195 = arith.muli %add3A_161, %mul3A_194 : i32
      %add3A_196 = arith.constant 1 : i32
      %add3A_197 = arith.addi %mul3A_195, %add3A_196 : i32
      %mul3A_198 = arith.constant 16 : i32
      %mul3A_199 = arith.muli %add3A_197, %mul3A_198 : i32
      %dma_wait3A_200 = arith.constant 3 : i32
      %dma_wait3A_201 = arith.constant 3 : i32
      %dma_wait3A_202 = arith.constant 0 : i32
      %dma_wait3A_203 = arith.constant 0 : i32
      %dma_wait3A_204 = tpu.memref_slice %arg8[%dma_wait3A_200, %dma_wait3A_202, %dma_wait3A_203] : memref<4x16x1024xf32, #tpu.memory_space<vmem>> -> memref<1x16x1024xf32, #tpu.memory_space<vmem>>
      %dma_wait3A_205 = tpu.memref_squeeze %dma_wait3A_204 : memref<1x16x1024xf32, #tpu.memory_space<vmem>> -> memref<16x1024xf32, #tpu.memory_space<vmem>>
      %dma_wait3A_206 = tpu.memref_slice %arg6[%mul3A_199] : memref<896xi32, #tpu.memory_space<vmem>> -> memref<16xi32, #tpu.memory_space<vmem>>
      %dma_wait3A_207 = arith.constant 0 : i32
      %dma_wait3A_208 = arith.constant 0 : i32
      %dma_wait3A_209 = tpu.memref_slice %arg3[%dma_wait3A_207, %dma_wait3A_208] : memref<51865x1024xf32, #tpu.memory_space<hbm>> -> memref<51865x1024xf32, #tpu.memory_space<hbm>>
      %dma_wait3A_210 = tpu.memref_slice %arg9[%dma_wait3A_201] : memref<4x!tpu.dma_semaphore, #tpu.memory_space<semaphore_mem>> -> memref<1x!tpu.dma_semaphore, #tpu.memory_space<semaphore_mem>>
      %dma_wait3A_211 = tpu.memref_squeeze %dma_wait3A_210 : memref<1x!tpu.dma_semaphore, #tpu.memory_space<semaphore_mem>> -> memref<!tpu.dma_semaphore, #tpu.memory_space<semaphore_mem>>
      tpu.wait_indirect_dma semaphore(%dma_wait3A_211 : memref<!tpu.dma_semaphore, #tpu.memory_space<semaphore_mem>>) src(%dma_wait3A_209 : memref<51865x1024xf32, #tpu.memory_space<hbm>>) dst(%dma_wait3A_205 : memref<16x1024xf32, #tpu.memory_space<vmem>>)
      %parallel_loop3A_212 = arith.constant 0 : i32
      %parallel_loop3A_213 = arith.constant 1024 : i32
      %parallel_loop3A_214 = arith.constant 1 : i32
      scf.for %parallel_loop3A_252 = %parallel_loop3A_212 to %parallel_loop3A_213 step %parallel_loop3A_214  : i32 {
        %parallel_loop3A_253 = arith.constant 6 : i32
        %parallel_loop3A_254 = arith.shrui %parallel_loop3A_252, %parallel_loop3A_253 : i32
        %parallel_loop3A_255 = arith.constant 63 : i32
        %parallel_loop3A_256 = arith.andi %parallel_loop3A_252, %parallel_loop3A_255 : i32
        %parallel_loop3A_257 = arith.constant 16 : i32
        %parallel_loop3A_258 = arith.muli %parallel_loop3A_256, %parallel_loop3A_257 : i32
        %parallel_loop3A_259 = arith.index_cast %parallel_loop3A_254 : i32 to index
        %parallel_loop3A_260 = arith.index_cast %parallel_loop3A_258 : i32 to index
        %parallel_loop3A_261 = tpu.vector_load %arg7[%parallel_loop3A_259, %parallel_loop3A_260] {strides = array<i32>} : memref<16x1024xf32, #tpu.memory_space<vmem>>, vector<1x16xf32>,
        %parallel_loop3A_262 = vector.shape_cast %parallel_loop3A_261 : vector<1x16xf32> to vector<16xf32>
        %parallel_loop3A_263 = arith.constant 2 : i32
        %parallel_loop3A_264 = arith.index_cast %parallel_loop3A_263 : i32 to index
        %parallel_loop3A_265 = arith.index_cast %parallel_loop3A_254 : i32 to index
        %parallel_loop3A_266 = arith.index_cast %parallel_loop3A_258 : i32 to index
        %parallel_loop3A_267 = tpu.vector_load %arg8[%parallel_loop3A_264, %parallel_loop3A_265, %parallel_loop3A_266] {strides = array<i32>} : memref<4x16x1024xf32, #tpu.memory_space<vmem>>, vector<1x1x16xf32>,
        %parallel_loop3A_268 = vector.shape_cast %parallel_loop3A_267 : vector<1x1x16xf32> to vector<16xf32>
        %parallel_loop3A_269 = arith.addf %parallel_loop3A_268, %parallel_loop3A_262 : vector<16xf32>
        %parallel_loop3A_270 = arith.constant 2 : i32
        %parallel_loop3A_271 = arith.index_cast %parallel_loop3A_270 : i32 to index
        %parallel_loop3A_272 = arith.index_cast %parallel_loop3A_254 : i32 to index
        %parallel_loop3A_273 = arith.index_cast %parallel_loop3A_258 : i32 to index
        %parallel_loop3A_274 = tpu.vector_load %arg8[%parallel_loop3A_271, %parallel_loop3A_272, %parallel_loop3A_273] {strides = array<i32>} : memref<4x16x1024xf32, #tpu.memory_space<vmem>>, vector<1x1x16xf32>,
        %parallel_loop3A_275 = vector.shape_cast %parallel_loop3A_274 : vector<1x1x16xf32> to vector<16xf32>
        %parallel_loop3A_276 = vector.shape_cast %parallel_loop3A_269 : vector<16xf32> to vector<1x1x16xf32>
        tpu.vector_store %arg8[%parallel_loop3A_271, %parallel_loop3A_272, %parallel_loop3A_273], %parallel_loop3A_276 {strides = array<i32>} : memref<4x16x1024xf32, #tpu.memory_space<vmem>>, vector<1x1x16xf32>,
        %parallel_loop3A_277 = arith.constant 3 : i32
        %parallel_loop3A_278 = arith.index_cast %parallel_loop3A_277 : i32 to index
        %parallel_loop3A_279 = arith.index_cast %parallel_loop3A_254 : i32 to index
        %parallel_loop3A_280 = arith.index_cast %parallel_loop3A_258 : i32 to index
        %parallel_loop3A_281 = tpu.vector_load %arg8[%parallel_loop3A_278, %parallel_loop3A_279, %parallel_loop3A_280] {strides = array<i32>} : memref<4x16x1024xf32, #tpu.memory_space<vmem>>, vector<1x1x16xf32>,
        %parallel_loop3A_282 = vector.shape_cast %parallel_loop3A_281 : vector<1x1x16xf32> to vector<16xf32>
        %parallel_loop3A_283 = arith.addf %parallel_loop3A_282, %parallel_loop3A_262 : vector<16xf32>
        %parallel_loop3A_284 = arith.constant 3 : i32
        %parallel_loop3A_285 = arith.index_cast %parallel_loop3A_284 : i32 to index
        %parallel_loop3A_286 = arith.index_cast %parallel_loop3A_254 : i32 to index
        %parallel_loop3A_287 = arith.index_cast %parallel_loop3A_258 : i32 to index
        %parallel_loop3A_288 = tpu.vector_load %arg8[%parallel_loop3A_285, %parallel_loop3A_286, %parallel_loop3A_287] {strides = array<i32>} : memref<4x16x1024xf32, #tpu.memory_space<vmem>>, vector<1x1x16xf32>,
        %parallel_loop3A_289 = vector.shape_cast %parallel_loop3A_288 : vector<1x1x16xf32> to vector<16xf32>
        %parallel_loop3A_290 = vector.shape_cast %parallel_loop3A_283 : vector<16xf32> to vector<1x1x16xf32>
        tpu.vector_store %arg8[%parallel_loop3A_285, %parallel_loop3A_286, %parallel_loop3A_287], %parallel_loop3A_290 {strides = array<i32>} : memref<4x16x1024xf32, #tpu.memory_space<vmem>>, vector<1x1x16xf32>,
      } {sc.loop_unroll_factor = 16 : i64, sc.parallel_access}
      %add3A_215 = arith.addi %mul3A_2, %add3A_161 : i32
      %shift_right_logical3A_216 = arith.constant 5 : i32
      %shift_right_logical3A_217 = arith.shrui %add3A_215, %shift_right_logical3A_216 : i32
      %and3A_218 = arith.constant 31 : i32
      %and3A_219 = arith.andi %add3A_215, %and3A_218 : i32
      %mul3A_220 = arith.constant 2 : i32
      %mul3A_221 = arith.muli %and3A_219, %mul3A_220 : i32
      %mul3A_222 = arith.constant 16 : i32
      %mul3A_223 = arith.muli %shift_right_logical3A_217, %mul3A_222 : i32
      %multiple_of3A_224 = tpu.assume_multiple %mul3A_223, 16 : i32
      %dma_start3A_225 = arith.constant 1 : i32
      %dma_start3A_226 = arith.constant 2 : i32
      %dma_start3A_227 = arith.constant 0 : i32
      %dma_start3A_228 = arith.constant 0 : i32
      %dma_start3A_229 = tpu.memref_slice %arg8[%dma_start3A_226, %dma_start3A_227, %dma_start3A_228] : memref<4x16x1024xf32, #tpu.memory_space<vmem>> -> memref<2x16x1024xf32, #tpu.memory_space<vmem>>
      %dma_start3A_230 = arith.constant 0 : i32
      %dma_start3A_231 = tpu.memref_slice %arg5[%mul3A_221, %multiple_of3A_224, %dma_start3A_230] : memref<64x448x1024xf32, #tpu.memory_space<hbm>> -> memref<2x16x1024xf32, #tpu.memory_space<hbm>>
      %dma_start3A_232 = tpu.memref_slice %arg10[%dma_start3A_225] : memref<2x!tpu.dma_semaphore, #tpu.memory_space<semaphore_mem>> -> memref<1x!tpu.dma_semaphore, #tpu.memory_space<semaphore_mem>>
      %dma_start3A_233 = tpu.memref_squeeze %dma_start3A_232 : memref<1x!tpu.dma_semaphore, #tpu.memory_space<semaphore_mem>> -> memref<!tpu.dma_semaphore, #tpu.memory_space<semaphore_mem>>
      %dma_start3A_234 = arith.constant 0 : i32
      %dma_start3A_235 = tpu.memref_slice %arg5[%mul3A_221, %multiple_of3A_224, %dma_start3A_234] : memref<64x448x1024xf32, #tpu.memory_space<hbm>> -> memref<2x16x1024xf32, #tpu.memory_space<hbm>>
      %dma_start3A_236 = arith.constant 2 : i32
      %dma_start3A_237 = arith.constant 0 : i32
      %dma_start3A_238 = arith.constant 0 : i32
      %dma_start3A_239 = tpu.memref_slice %arg8[%dma_start3A_236, %dma_start3A_237, %dma_start3A_238] : memref<4x16x1024xf32, #tpu.memory_space<vmem>> -> memref<2x16x1024xf32, #tpu.memory_space<vmem>>
      tpu.enqueue_dma source(%dma_start3A_239 : memref<2x16x1024xf32, #tpu.memory_space<vmem>>) target(%dma_start3A_235 : memref<2x16x1024xf32, #tpu.memory_space<hbm>>) target_semaphore(%dma_start3A_233 : memref<!tpu.dma_semaphore, #tpu.memory_space<semaphore_mem>>)
      %ge3A_240 = arith.constant 1 : i32
      %ge3A_241 = arith.cmpi sge, %add3A_161, %ge3A_240 : i32
      %convert_element_type3A_242 = arith.extui %ge3A_241 : i1 to i32
      %cond3A_243 = arith.constant 0 : i32
      %cond3A_244 = arith.cmpi ne, %convert_element_type3A_242, %cond3A_243 : i32
      scf.if %cond3A_244 {
        %sub3A = arith.constant 1 : i32
        %sub3A_252 = arith.subi %add3A_161, %sub3A : i32
        %add3A_253 = arith.addi %mul3A_2, %sub3A_252 : i32
        %shift_right_logical3A_254 = arith.constant 5 : i32
        %shift_right_logical3A_255 = arith.shrui %add3A_253, %shift_right_logical3A_254 : i32
        %and3A_256 = arith.constant 31 : i32
        %and3A_257 = arith.andi %add3A_253, %and3A_256 : i32
        %mul3A_258 = arith.constant 2 : i32
        %mul3A_259 = arith.muli %and3A_257, %mul3A_258 : i32
        %mul3A_260 = arith.constant 16 : i32
        %mul3A_261 = arith.muli %shift_right_logical3A_255, %mul3A_260 : i32
        %multiple_of3A_262 = tpu.assume_multiple %mul3A_261, 16 : i32
        %dma_wait3A_263 = arith.constant 0 : i32
        %dma_wait3A_264 = arith.constant 0 : i32
        %dma_wait3A_265 = arith.constant 0 : i32
        %dma_wait3A_266 = arith.constant 0 : i32
        %dma_wait3A_267 = tpu.memref_slice %arg8[%dma_wait3A_264, %dma_wait3A_265, %dma_wait3A_266] : memref<4x16x1024xf32, #tpu.memory_space<vmem>> -> memref<2x16x1024xf32, #tpu.memory_space<vmem>>
        %dma_wait3A_268 = arith.constant 0 : i32
        %dma_wait3A_269 = tpu.memref_slice %arg5[%mul3A_259, %multiple_of3A_262, %dma_wait3A_268] : memref<64x448x1024xf32, #tpu.memory_space<hbm>> -> memref<2x16x1024xf32, #tpu.memory_space<hbm>>
        %dma_wait3A_270 = tpu.memref_slice %arg10[%dma_wait3A_263] : memref<2x!tpu.dma_semaphore, #tpu.memory_space<semaphore_mem>> -> memref<1x!tpu.dma_semaphore, #tpu.memory_space<semaphore_mem>>
        %dma_wait3A_271 = tpu.memref_squeeze %dma_wait3A_270 : memref<1x!tpu.dma_semaphore, #tpu.memory_space<semaphore_mem>> -> memref<!tpu.dma_semaphore, #tpu.memory_space<semaphore_mem>>
        %dma_wait3A_272 = arith.constant 0 : i32
        %dma_wait3A_273 = tpu.memref_slice %arg5[%mul3A_259, %multiple_of3A_262, %dma_wait3A_272] : memref<64x448x1024xf32, #tpu.memory_space<hbm>> -> memref<2x16x1024xf32, #tpu.memory_space<hbm>>
        %dma_wait3A_274 = arith.constant 0 : i32
        %dma_wait3A_275 = arith.constant 0 : i32
        %dma_wait3A_276 = arith.constant 0 : i32
        %dma_wait3A_277 = tpu.memref_slice %arg8[%dma_wait3A_274, %dma_wait3A_275, %dma_wait3A_276] : memref<4x16x1024xf32, #tpu.memory_space<vmem>> -> memref<2x16x1024xf32, #tpu.memory_space<vmem>>
        tpu.wait_dma2 semaphore(%dma_wait3A_271 : memref<!tpu.dma_semaphore, #tpu.memory_space<semaphore_mem>>) src(%dma_wait3A_277 : memref<2x16x1024xf32, #tpu.memory_space<vmem>>) dst(%dma_wait3A_273 : memref<2x16x1024xf32, #tpu.memory_space<hbm>>)
      } else {
      }
      %add3A_245 = arith.constant 1 : i32
      %add3A_246 = arith.addi %add3A_161, %add3A_245 : i32
      %lt3A_247 = arith.constant 28 : i32
      %lt3A_248 = arith.cmpi slt, %add3A_246, %lt3A_247 : i32
      %convert_element_type3A_249 = arith.extui %lt3A_248 : i1 to i32
      %cond3A_250 = arith.constant 0 : i32
      %cond3A_251 = arith.cmpi ne, %convert_element_type3A_249, %cond3A_250 : i32
      scf.if %cond3A_251 {
        %add3A_252 = arith.constant 1 : i32
        %add3A_253 = arith.addi %add3A_161, %add3A_252 : i32
        %mul3A_254 = arith.constant 2 : i32
        %mul3A_255 = arith.muli %add3A_253, %mul3A_254 : i32
        %add3A_256 = arith.constant 0 : i32
        %add3A_257 = arith.addi %mul3A_255, %add3A_256 : i32
        %mul3A_258 = arith.constant 16 : i32
        %mul3A_259 = arith.muli %add3A_257, %mul3A_258 : i32
        %dma_start3A_260 = arith.constant 0 : i32
        %dma_start3A_261 = arith.constant 0 : i32
        %dma_start3A_262 = arith.constant 0 : i32
        %dma_start3A_263 = arith.constant 0 : i32
        %dma_start3A_264 = tpu.memref_slice %arg8[%dma_start3A_260, %dma_start3A_262, %dma_start3A_263] : memref<4x16x1024xf32, #tpu.memory_space<vmem>> -> memref<1x16x1024xf32, #tpu.memory_space<vmem>>
        %dma_start3A_265 = tpu.memref_squeeze %dma_start3A_264 : memref<1x16x1024xf32, #tpu.memory_space<vmem>> -> memref<16x1024xf32, #tpu.memory_space<vmem>>
        %dma_start3A_266 = tpu.memref_slice %arg6[%mul3A_259] : memref<896xi32, #tpu.memory_space<vmem>> -> memref<16xi32, #tpu.memory_space<vmem>>
        %dma_start3A_267 = arith.constant 0 : i32
        %dma_start3A_268 = arith.constant 0 : i32
        %dma_start3A_269 = tpu.memref_slice %arg3[%dma_start3A_267, %dma_start3A_268] : memref<51865x1024xf32, #tpu.memory_space<hbm>> -> memref<51865x1024xf32, #tpu.memory_space<hbm>>
        %dma_start3A_270 = tpu.memref_slice %arg9[%dma_start3A_261] : memref<4x!tpu.dma_semaphore, #tpu.memory_space<semaphore_mem>> -> memref<1x!tpu.dma_semaphore, #tpu.memory_space<semaphore_mem>>
        %dma_start3A_271 = tpu.memref_squeeze %dma_start3A_270 : memref<1x!tpu.dma_semaphore, #tpu.memory_space<semaphore_mem>> -> memref<!tpu.dma_semaphore, #tpu.memory_space<semaphore_mem>>
        tpu.enqueue_indirect_dma source(%dma_start3A_269 : memref<51865x1024xf32, #tpu.memory_space<hbm>>) target(%dma_start3A_265 : memref<16x1024xf32, #tpu.memory_space<vmem>>) offsets(%dma_start3A_266 : memref<16xi32, #tpu.memory_space<vmem>>) semaphore(%dma_start3A_271 : memref<!tpu.dma_semaphore, #tpu.memory_space<semaphore_mem>>)
        %add3A_272 = arith.constant 1 : i32
        %add3A_273 = arith.addi %add3A_161, %add3A_272 : i32
        %mul3A_274 = arith.constant 2 : i32
        %mul3A_275 = arith.muli %add3A_273, %mul3A_274 : i32
        %add3A_276 = arith.constant 1 : i32
        %add3A_277 = arith.addi %mul3A_275, %add3A_276 : i32
        %mul3A_278 = arith.constant 16 : i32
        %mul3A_279 = arith.muli %add3A_277, %mul3A_278 : i32
        %dma_start3A_280 = arith.constant 1 : i32
        %dma_start3A_281 = arith.constant 1 : i32
        %dma_start3A_282 = arith.constant 0 : i32
        %dma_start3A_283 = arith.constant 0 : i32
        %dma_start3A_284 = tpu.memref_slice %arg8[%dma_start3A_280, %dma_start3A_282, %dma_start3A_283] : memref<4x16x1024xf32, #tpu.memory_space<vmem>> -> memref<1x16x1024xf32, #tpu.memory_space<vmem>>
        %dma_start3A_285 = tpu.memref_squeeze %dma_start3A_284 : memref<1x16x1024xf32, #tpu.memory_space<vmem>> -> memref<16x1024xf32, #tpu.memory_space<vmem>>
        %dma_start3A_286 = tpu.memref_slice %arg6[%mul3A_279] : memref<896xi32, #tpu.memory_space<vmem>> -> memref<16xi32, #tpu.memory_space<vmem>>
        %dma_start3A_287 = arith.constant 0 : i32
        %dma_start3A_288 = arith.constant 0 : i32
        %dma_start3A_289 = tpu.memref_slice %arg3[%dma_start3A_287, %dma_start3A_288] : memref<51865x1024xf32, #tpu.memory_space<hbm>> -> memref<51865x1024xf32, #tpu.memory_space<hbm>>
        %dma_start3A_290 = tpu.memref_slice %arg9[%dma_start3A_281] : memref<4x!tpu.dma_semaphore, #tpu.memory_space<semaphore_mem>> -> memref<1x!tpu.dma_semaphore, #tpu.memory_space<semaphore_mem>>
        %dma_start3A_291 = tpu.memref_squeeze %dma_start3A_290 : memref<1x!tpu.dma_semaphore, #tpu.memory_space<semaphore_mem>> -> memref<!tpu.dma_semaphore, #tpu.memory_space<semaphore_mem>>
        tpu.enqueue_indirect_dma source(%dma_start3A_289 : memref<51865x1024xf32, #tpu.memory_space<hbm>>) target(%dma_start3A_285 : memref<16x1024xf32, #tpu.memory_space<vmem>>) offsets(%dma_start3A_286 : memref<16xi32, #tpu.memory_space<vmem>>) semaphore(%dma_start3A_291 : memref<!tpu.dma_semaphore, #tpu.memory_space<semaphore_mem>>)
      } else {
      }
      scf.yield %shift_right_logical3A_164 : i32
    }
    %scan3A_42 = arith.constant 14 : i32
    %add3A_43 = arith.constant 27 : i32
    %add3A_44 = arith.addi %mul3A_2, %add3A_43 : i32
    %shift_right_logical3A_45 = arith.constant 5 : i32
    %shift_right_logical3A_46 = arith.shrui %add3A_44, %shift_right_logical3A_45 : i32
    %and3A_47 = arith.constant 31 : i32
    %and3A_48 = arith.andi %add3A_44, %and3A_47 : i32
    %mul3A_49 = arith.constant 2 : i32
    %mul3A_50 = arith.muli %and3A_48, %mul3A_49 : i32
    %mul3A_51 = arith.constant 16 : i32
    %mul3A_52 = arith.muli %shift_right_logical3A_46, %mul3A_51 : i32
    %multiple_of3A_53 = tpu.assume_multiple %mul3A_52, 16 : i32
    %dma_wait3A = arith.constant 1 : i32
    %dma_wait3A_54 = arith.constant 2 : i32
    %dma_wait3A_55 = arith.constant 0 : i32
    %dma_wait3A_56 = arith.constant 0 : i32
    %dma_wait3A_57 = tpu.memref_slice %arg8[%dma_wait3A_54, %dma_wait3A_55, %dma_wait3A_56] : memref<4x16x1024xf32, #tpu.memory_space<vmem>> -> memref<2x16x1024xf32, #tpu.memory_space<vmem>>
    %dma_wait3A_58 = arith.constant 0 : i32
    %dma_wait3A_59 = tpu.memref_slice %arg5[%mul3A_50, %multiple_of3A_53, %dma_wait3A_58] : memref<64x448x1024xf32, #tpu.memory_space<hbm>> -> memref<2x16x1024xf32, #tpu.memory_space<hbm>>
    %dma_wait3A_60 = tpu.memref_slice %arg10[%dma_wait3A] : memref<2x!tpu.dma_semaphore, #tpu.memory_space<semaphore_mem>> -> memref<1x!tpu.dma_semaphore, #tpu.memory_space<semaphore_mem>>
    %dma_wait3A_61 = tpu.memref_squeeze %dma_wait3A_60 : memref<1x!tpu.dma_semaphore, #tpu.memory_space<semaphore_mem>> -> memref<!tpu.dma_semaphore, #tpu.memory_space<semaphore_mem>>
    %dma_wait3A_62 = arith.constant 0 : i32
    %dma_wait3A_63 = tpu.memref_slice %arg5[%mul3A_50, %multiple_of3A_53, %dma_wait3A_62] : memref<64x448x1024xf32, #tpu.memory_space<hbm>> -> memref<2x16x1024xf32, #tpu.memory_space<hbm>>
    %dma_wait3A_64 = arith.constant 2 : i32
    %dma_wait3A_65 = arith.constant 0 : i32
    %dma_wait3A_66 = arith.constant 0 : i32
    %dma_wait3A_67 = tpu.memref_slice %arg8[%dma_wait3A_64, %dma_wait3A_65, %dma_wait3A_66] : memref<4x16x1024xf32, #tpu.memory_space<vmem>> -> memref<2x16x1024xf32, #tpu.memory_space<vmem>>
    tpu.wait_dma2 semaphore(%dma_wait3A_61 : memref<!tpu.dma_semaphore, #tpu.memory_space<semaphore_mem>>) src(%dma_wait3A_67 : memref<2x16x1024xf32, #tpu.memory_space<vmem>>) dst(%dma_wait3A_63 : memref<2x16x1024xf32, #tpu.memory_space<hbm>>)
    return
  }
}

</mosaic_0001>

<sc_bundles>
// kernel: kernel.3.cloned.1.call-start
scs
__scs_entry_jumppad:
0x0: {  	(pc) =	sbr.rel $0x88, $3  }
0x1: {  	(tag) =	ssettag $0x0;
	lr =	simm.s32 $0x1  }
0x2: {  	[smem:$0x3F9E] =	sst lr;
	_ =	strace $0xD0000000  }
0x3: {  	_ = 	snop  }
0x4: {  	_ = 	snop  }
0x5: {  	_ = 	snop  }
0x6: {  	_ = 	snop  }
0x7: {  	_ = 	snop  }
__scs_overlays_trampoline_lowered:
0x8: {  	[smem:$0x3FAD] =	sst s0  }
0x9: {  	[smem:$0x3FAE] =	sst s1  }
0xa: {  	[smem:$0x3FAF] =	sst s2  }
0xb: {  	[smem:$0x3FB0] =	sst s3  }
0xc: {  	[smem:$0x3FB1] =	sst s4  }
0xd: {  	[smem:$0x3FB2] =	sst s5  }
0xe: {  	[smem:$0x3FB3] =	sst s6  }
0xf: {  	[smem:$0x3FB4] =	sst s7  }
0x10: {  	[smem:$0x3FB5] =	sst s8  }
0x11: {  	[smem:$0x3FB6] =	sst s9;
	s0 =	simm.s32 @!p0 $0x0  }
0x12: {  	s1 =	sld [smem:$0x3F9C];
	s0 =	simm.s32 @p0 $0x1  }
0x13: {  	[smem:$0x3FB7] =	sst s0;
	s0 =	simm.s32 @!p1 $0x0  }
0x14: {  	s2 =	sld [smem:$0x3F9B];
	s0 =	simm.s32 @p1 $0x1  }
0x15: {  	[smem:$0x3FB8] =	sst s0;
	s0 =	simm.s32 @!p2 $0x0  }
0x16: {  	s3 =	sld [smem:$0x3FDB];
	s0 =	simm.s32 @p2 $0x1  }
0x17: {  	s4 =	simm.s32 $0x1BF5;
	[smem:$0x3FBA] =	sst s0  }
0x18: {  	s0 =	sld [smem:$0x3F9D];
	_ =	swait.ge [sflag:s4], $0x0  }
0x19: {  	s7 =	sld [smem:$0x3F9E]  }
0x1a: {  	s8 =	sadd.s32 $0xFFFFE003, lr  }
0x1b: {  	s9 =	sadd.s32 $0xFFFFFEF7, lr;
	s5 =	simm.s32 $0xFFFFFFFF;
	p2 =	slt.u32 s8, $0xFFFFF086  }
0x1c: {  	p1 =	slt.u32 s9, $0xF7A;
	s5 =	simm.s32 @!p2 $0x0  }
0x1d: {  	s5 =	simm.s32 @p1 $0x1;
	p0 =	seq.s32 s7, s2  }
0x1e: {  	s7 =	smul.u32 @!p0 $0xF7A, s2;
	p2 =	seq.s32 @!p0 s5, $0x0  }
0x1f: {  	s9 =	smul.u32 $0xF7A, s1;
	s8 =	simm.s32 @!p0 $0x1BF5;
	p2 =	por !p2, p0  }
0x20: {  	[sflag:s8] =	ssyncset.s32 @!p0 $0xFFFFF086;
	s6 =	sadd.s32 @!p0 s3, s7;
	s7 =	simm.s32 @!p0 $0x108  }
0x21: {  	s3 =	sadd.s32 s3, s9;
	s6 =	sadd.s32 @!p0 $0x88, s6;
	s7 =	simm.s32 @p2 $0x1082  }
0x22: {  	[simem:s7], [sflag:s8] =	dma.local @!p0 [hbm:s6], $0xF7A  }
0x23: {  	s9 =	sor.u32 $0xD0000000, s2;
	s6 =	simm.s32 $0x108;
	_ =	swait.ge @!p0 [sflag:s8], $0x0  }
0x24: {  	s3 =	sadd.s32 $0x88, s3;
	s6 =	simm.s32 @!p1 $0x1082;
	[sflag:s4] =	ssyncset.s32 $0xFFFFF086  }
0x25: {  	[simem:s6], [sflag:s4] =	dma.local [hbm:s3], $0xF7A  }
0x26: {  	[smem:$0x3F9E] =	sst s1;
	(tag) =	ssettag s2;
	_ =	strace s9  }
0x27: {  	s1 =	sld [smem:$0x3FAE]  }
0x28: {  	s2 =	sld [smem:$0x3FAF]  }
0x29: {  	s4 =	sld [smem:$0x3FB1]  }
0x2a: {  	p0 =	seq.s32 s5, $0x0;
	s5 =	sld [smem:$0x3FB2]  }
0x2b: {  	s6 =	sld [smem:$0x3FB3]  }
0x2c: {  	s7 =	sld [smem:$0x3FB4]  }
0x2d: {  	s3 =	simm.s32 $0x108;
	s8 =	sld [smem:$0x3FB5]  }
0x2e: {  	s3 =	simm.s32 @!p0 $0x1082;
	s9 =	sld [smem:$0x3FB6]  }
0x2f: {  	lr =	sadd.s32 s0, s3;
	s0 =	sld [smem:$0x3FAD]  }
0x30: {  	s3 =	sld [smem:$0x3FB0]  }
0x31: {  	[smem:$0x3FB9] =	sst s10  }
0x32: {  	s10 =	sld [smem:$0x3FB7];
	_ =	sdelay $0x3  }
0x33: {  	p0 =	seq.s32 s10, $0x1;
	s10 =	sld [smem:$0x3FB9];
	_ =	sdelay $0x3  }
0x34: {  	[smem:$0x3FB9] =	sst s10  }
0x35: {  	s10 =	sld [smem:$0x3FB8];
	_ =	sdelay $0x3  }
0x36: {  	p1 =	seq.s32 s10, $0x1;
	s10 =	sld [smem:$0x3FB9];
	_ =	sdelay $0x3  }
0x37: {  	[smem:$0x3FB9] =	sst s10  }
0x38: {  	s10 =	sld [smem:$0x3FBA]  }
0x39: {  	_ = 	snop;
	(pc) =	sbr.ind lr, $3  }
0x3a: {  	_ = 	snop  }
0x3b: {  	_ = 	snop  }
0x3c: {  	p2 =	seq.s32 s10, $0x1;
	s10 =	sld [smem:$0x3FB9]  }
0x3d: {  	_ =	shalt  }
0x3e: {  	_ =	shalt  }
0x3f: {  	_ =	shalt  }
0x40: {  	_ =	shalt  }
0x41: {  	_ =	shalt  }
0x42: {  	_ =	shalt  }
0x43: {  	_ =	shalt  }
0x44: {  	_ =	shalt  }
0x45: {  	_ =	shalt  }
0x46: {  	_ =	shalt  }
0x47: {  	_ =	shalt  }
0x48: {  	_ =	shalt  }
0x49: {  	_ =	shalt  }
0x4a: {  	_ =	shalt  }
0x4b: {  	_ =	shalt  }
0x4c: {  	_ =	shalt  }
0x4d: {  	_ =	shalt  }
0x4e: {  	_ =	shalt  }
0x4f: {  	_ =	shalt  }
0x50: {  	_ =	shalt  }
0x51: {  	_ =	shalt  }
0x52: {  	_ =	shalt  }
0x53: {  	_ =	shalt  }
0x54: {  	_ =	shalt  }
0x55: {  	_ =	shalt  }
0x56: {  	_ =	shalt  }
0x57: {  	_ =	shalt  }
0x58: {  	_ =	shalt  }
0x59: {  	_ =	shalt  }
0x5a: {  	_ =	shalt  }
0x5b: {  	_ =	shalt  }
0x5c: {  	_ =	shalt  }
0x5d: {  	_ =	shalt  }
0x5e: {  	_ =	shalt  }
0x5f: {  	_ =	shalt  }
0x60: {  	_ =	shalt  }
0x61: {  	_ =	shalt  }
0x62: {  	_ =	shalt  }
0x63: {  	_ =	shalt  }
0x64: {  	_ =	shalt  }
0x65: {  	_ =	shalt  }
0x66: {  	_ =	shalt  }
0x67: {  	_ =	shalt  }
0x68: {  	_ =	shalt  }
0x69: {  	_ =	shalt  }
0x6a: {  	_ =	shalt  }
0x6b: {  	_ =	shalt  }
0x6c: {  	_ =	shalt  }
0x6d: {  	_ =	shalt  }
0x6e: {  	_ =	shalt  }
0x6f: {  	_ =	shalt  }
0x70: {  	_ =	shalt  }
0x71: {  	_ =	shalt  }
0x72: {  	_ =	shalt  }
0x73: {  	_ =	shalt  }
0x74: {  	_ =	shalt  }
0x75: {  	_ =	shalt  }
0x76: {  	_ =	shalt  }
0x77: {  	_ =	shalt  }
0x78: {  	_ =	shalt  }
0x79: {  	_ =	shalt  }
0x7a: {  	_ =	shalt  }
0x7b: {  	_ =	shalt  }
0x7c: {  	_ =	shalt  }
0x7d: {  	_ =	shalt  }
0x7e: {  	_ =	shalt  }
0x7f: {  	_ =	shalt  }
0x80: {  	_ =	shalt  }
0x81: {  	_ =	shalt  }
0x82: {  	_ =	shalt  }
0x83: {  	_ =	shalt  }
0x84: {  	_ =	shalt  }
0x85: {  	_ =	shalt  }
0x86: {  	_ =	shalt  }
0x87: {  	_ =	shalt  }
.Lfunc_end0:
.L_simem_size_0:
called_computation_lowered:
.L_overlay_start_0:
0x88: {  	s2 =	sld [smem:$0x3FD9]  }
0x89: {  	s3 =	sld [smem:$0x3FFE];
	_ =	sdelay $0x1  }
0x8a: {  	s1 =	srdreg.scid  }
0x8b: {  	s0 =	sand.u32 $0x1, s1  }
0x8c: {  	s17 =	sshll.u32 s0, $0xA;
	s2 =	sadd.s32 s3, s2  }
0x8d: {  	s2 =	sadd.s32 s2, s17  }
0x8e: {  	[smem:$0x3FC5] =	sst s2  }
0x8f: {  	_ = 	snop  }
0x90: {  	s2 =	sld [smem:$0x3FC8]  }
0x91: {  	s18 =	sld [smem:$0x3FC7]  }
0x92: {  	s4 =	sld [smem:$0x3FD0];
	(tm) =	ssettm $0x1  }
0x93: {  	s5 =	sld [smem:$0x3FFB];
	_ =	sdelay $0x3  }
0x94: {  	_ =	strace s5  }
0x95: {  	s5 =	sld [smem:$0x3FFC];
	_ =	sdelay $0x3  }
0x96: {  	_ =	strace s5  }
0x97: {  	s5 =	sld [smem:$0x3FFD];
	_ =	sdelay $0x3  }
0x98: {  	_ =	strace s5  }
0x99: {  	_ =	strace $0x8FFFFFFF  }
0x9a: {  	s19 =	sld [smem:$0x3FDB];
	_ =	sdelay $0x1  }
0x9b: {  	s6 =	simm.s32 $_scs_section_size  }
0x9c: {  	s7 =	simm.s32 $_size__tile_overlayer_lowered;
	s8 =	simm.s32 $_tile_overlayer_lowered  }
0x9d: {  	s22 =	simm.s32 $0x1BFF;
	s21 =	sshll.u32 s8, $0x1;
	s5 =	sadd.s32 s6, s19  }
0x9e: {  	s9 =	simm.s32 $0x0;
	s20 =	sshll.u32 s7, $0x1;
	s7 =	sadd.s32 s21, s5  }
0x9f: {  	[timem:s9], [sflag:s22] =	dma.local [hbm:s7], s20  }
0xa0: {  	_ =	swait.ge [sflag:s22], s20  }
0xa1: {  	s6 =	ssub.s32 $0x0, s20;
	[sflag:s22] =	ssyncset.done $0x0  }
0xa2: {  	[sflag:s22] =	ssyncadd.s32 s6;
	_ =	sdelay $0x1  }
0xa3: {  	s23 =	simm.s32 $0x1B8B  }
0xa4: {  	_ =	swait.ge [sflag:s23], $0x1  }
0xa5: {  	[sflag:s23] =	ssyncset.done $0x0  }
0xa6: {  	s25 =	simm.s32 $0x1B8E;
	s24 =	sld [smem:$0x3FFE];
	[sflag:s23] =	ssyncadd.s32 $0xFFFFFFFF  }
0xa7: {  	s26 =	simm.s32 $execute0_lowered;
	[smem:$0x3FD2] =	sst s25  }
0xa8: {  	s7 =	sshll.u32 s26, $0x1;
	_ =	strace $0x80000046;
	[dreg:$0x1] =	wrdreg $0xFFFFFFFF  }
0xa9: {  	s28 =	simm.s32 $_size_execute0_lowered;
	s5 =	sadd.s32 s5, s7;
	[dreg:$0x0] =	wrdreg $0x0  }
0xaa: {  	s7 =	sshll.u32 s28, $0x1;
	[dreg:$0x2] =	wrdreg s5  }
0xab: {  	[dreg:$0x3] =	wrdreg s7  }
0xac: {  	[dreg:$0x4] =	wrdreg $0xC0  }
0xad: {  	_ =	task [dreg:s9], $0x5FFFF  }
0xae: {  	[dreg:$0x1] =	wrdreg $0xFFFFFFFF  }
0xaf: {  	[dreg:$0x0] =	wrdreg $0x60  }
0xb0: {  	[dreg:$0x2] =	wrdreg s24  }
0xb1: {  	[dreg:$0x3] =	wrdreg s2  }
0xb2: {  	[dreg:$0x4] =	wrdreg s18  }
0xb3: {  	[dreg:$0x5] =	wrdreg s4  }
0xb4: {  	[dreg:$0x6] =	wrdreg $0x9  }
0xb5: {  	_ =	task.clear_ibuf [dreg:s9], $0x7FFFF;
	_ =	strace $0x90000046  }
0xb6: {  	s29 =	simm.s32 $0x9;
	_ =	strace $0x80000048  }
0xb7: {  	_ =	swait.ge [sflag:s29], $0x1  }
0xb8: {  	[sflag:s29] =	ssyncadd.s32 $0xFFFFFFFF  }
0xb9: {  	_ =	strace $0x90000048  }
0xba: {  	_ =	sfence  }
0xbb: {  	s30 =	sld [smem:$0x0];
	_ =	sdelay $0x2  }
0xbc: {  	s31 =	sshll.u32 s1, $0xD;
	s1 =	sshrl.u32 s1, $0x2  }
0xbd: {  	s3 =	sand.u32 $0x4000, s31;
	s1 =	sadd.s32 s1, s30  }
0xbe: {  	s0 =	sor.u32 s3, s0;
	s1 =	sshll.u32 s1, $0x11  }
0xbf: {  	s0 =	sor.u32 s1, s0  }
0xc0: {  	s0 =	sadd.s32 $0x8F2B, s0  }
0xc1: {  	[sflag:s0] =	ssyncadd.remote.s32 $0x1  }
0xc2: {  	_ =	sfence.sel $0xFFFF  }
0xc3: {  	[dreg:$0x0] =	wrdreg $0xFFFFFFFF;
	(pc) =	sbr.abs _section_cstart, $3  }
0xc4: {  	[dreg:$0x1] =	wrdreg $0xFFFFFFFF  }
0xc5: {  	_ =	task.clear_ibuf [dreg:s9], $0x2FFFF;
	_ =	strace $0x9FFFFFFF  }
0xc6: {  	(tm) =	ssettm $0x7FFFFFFF  }
0xc7: {  	_ =	shalt  }
tec
execute0_lowered:
.L_overlay_start_1:
0x0: {  	(tag) =	ssettag $0x1  }
0x1: {  	s0 =	rddreg [dreg:$0x0]  }
0x2: {  	s1 =	rddreg [dreg:$0x1];
	s2 =	srdreg.scid  }
0x3: {  	s3 =	stileid.u32;
	s4 =	rddreg [dreg:$0x2]  }
0x4: {  	s15 =	simm.s32 $0x2;
	s13 =	simm.s32 $0xC380;
	s31 =	simm.s32 $0x3  }
0x5: {  	s2 =	sand.u32 $0x1, s2;
	s5 =	sshll.u32 s3, $0x1;
	s10 =	sadd.s32 $0x100, s1  }
0x6: {  	s11 =	sadd.s32 $0x200, s1;
	s12 =	sadd.s32 $0x300, s1;
	s6 =	sor.u32 s2, s5  }
0x7: {  	s5 =	simm.s32 $0x0;
	s2 =	ssub.s32 $0x2, s2;
	s7 =	smul.u32 $0x70, s6  }
0x8: {  	[smem:$0x7FF] =	sst s5;
	s6 =	smul.u32 $0x1C, s6;
	s8 =	sshrl.u32 s2, $0x1  }
0x9: {  	_ =	strace $0x80000047;
	s2 =	ssub.s32 s2, s8;
	s8 =	simm.s32 $0x5  }
.Ltmp0:
0xa: {  	s0 =	sadd.s32 s7, s0;
	s28 =	sshrl.u32 s6, $0x5;
	(pc) =	sbr.rel .LBB2_1-.Ltmp0, $4  }
0xb: {  	s26 =	sshll.u32 s6, $0x6;
	s30 =	smax.u32 s2, $0x1;
	[dreg:$0x6] =	wrdreg s28  }
0xc: {  	v2 =	vlaneseq.u32;
	s0 =	sadd.s32 $0x400, s0;
	s29 =	sand.u32 $0xF800, s26;
	[dreg:$0x8] =	wrdreg s30  }
0xd: {  	vm0 =	vmmov $0xffff;
	v1 =	vshrl.u32 v2, $0x3;
	s2 =	simm.s32 $0x4;
	[dreg:$0x5] =	wrdreg s0;
	s0 =	sadd.s32 s4, s29  }
0xe: {  	v0 =	vand.u32 $0x7, v2;
	v2 =	vor.u32 $0x8, v2;
	v1 =	vmul.u32 $0x8, v1;
	s7 =	simm.s32 $0x0;
	[dreg:$0x7] =	wrdreg s0;
	s0 =	simm.s32 $0x1  }
.LBB2_8:
0xf: {  	s4 =	simm.s32 $0x6  }
0x10: {  	_ =	swait.ge [sflag:s4], $0x8000  }
0x11: {  	s7 =	rddreg [dreg:$0x9]  }
0x12: {  	s3 =	rddreg [dreg:$0x8];
	s7 =	sadd.s32 $0x1, s7  }
0x13: {  	p0 =	sne.s32 s7, s3  }
.Ltmp1:
0x14: {  	_ = 	snop;
	(pc) =	sbr.rel @!p0 .LBB2_9-.Ltmp1, $3  }
0x15: {  	_ =	sdelay $0x1  }
0x16: {  	[sflag:s4] =	ssyncset.done $0x0  }
0x17: {  	[sflag:s4] =	ssyncadd.s32 $0xFFFF8000  }
.LBB2_1:
0x18: {  	[dreg:$0x9] =	wrdreg s7  }
0x19: {  	s3 =	rddreg [dreg:$0x5];
	s4 =	simm.s32 $0x7  }
0x1a: {  	[tilespmem:s5], [sflag:$0x7] =	stream.linear.gather [hbm4b:s3+s5], $0x380, $0x38;
	[tilespmem:$0x14380] =	vst v63  }
0x1b: {  	_ =	swait.ge [sflag:s4], $0x380  }
0x1c: {  	[sflag:s4] =	ssyncset.done $0x0  }
0x1d: {  	s30 =	simm.s32 $0x380;
	s29 =	rddreg [dreg:$0x7];
	[sflag:s4] =	ssyncadd.s32 $0xFFFFFC80  }
0x1e: {  	[tilespmem:s30], [sflag:$0x7] =	stream.linear.gather [hbm4b:s29+s5], $0x4000, $0x38;
	[tilespmem:$0x14380] =	vst v63  }
0x1f: {  	_ =	swait.ge [sflag:s4], $0x4000  }
0x20: {  	[sflag:s4] =	ssyncset.done $0x0  }
0x21: {  	[sflag:s4] =	ssyncadd.s32 $0xFFFFC000  }
0x22: {  	v3 =	vld [tilespmem:$0x0];
	_ =	sdelay $0x4  }
0x23: {  	v4 =	vshll.u32 v3, $0x3  }
0x24: {  	v3 =	vand.u32 $0x7, v3;
	v4 =	vand.u32 $0xFFFFFFC0, v4  }
0x25: {  	v3 =	vor.u32 v3, v4  }
0x26: {  	v4 =	vperm.xlane v3, v0;
	_ =	sdelay $0x1  }
0x27: {  	v4 =	vadd.s32 v1, v4;
	_ =	sdelay $0x3  }
0x28: {  	s9 =	simm.s32 $0x4380  }
0x29: {  	[tilespmem:s9], [sflag:$0x1] =	stream.indirect_vreg.gather [hbm4b:s1+s5], $0x80, v4, vm0, $0xb8;
	[tilespmem:$0x14380] =	vst v63  }
0x2a: {  	s14 =	simm.s32 $0x4B80;
	v3 =	vperm.xlane v3, v2  }
0x2b: {  	[tilespmem:s14], [sflag:$0x1] =	stream.indirect_vreg.gather [hbm4b:s10+s5], $0x80, v4, vm0, $0xb8;
	[tilespmem:$0x14380] =	vst v63  }
0x2c: {  	s16 =	simm.s32 $0x5380;
	v3 =	vadd.s32 v1, v3  }
0x2d: {  	[tilespmem:s16], [sflag:$0x1] =	stream.indirect_vreg.gather [hbm4b:s11+s5], $0x80, v4, vm0, $0xb8;
	[tilespmem:$0x14380] =	vst v63  }
0x2e: {  	s17 =	simm.s32 $0x5B80  }
0x2f: {  	[tilespmem:s17], [sflag:$0x1] =	stream.indirect_vreg.gather [hbm4b:s12+s5], $0x80, v4, vm0, $0xb8;
	[tilespmem:$0x14380] =	vst v63  }
0x30: {  	s18 =	simm.s32 $0x6380  }
0x31: {  	[tilespmem:s18], [sflag:$0x1] =	stream.indirect_vreg.gather [hbm4b:s1+s5], $0x80, v3, vm0, $0xb8;
	[tilespmem:$0x14380] =	vst v63  }
0x32: {  	s19 =	simm.s32 $0x6B80  }
0x33: {  	[tilespmem:s19], [sflag:$0x1] =	stream.indirect_vreg.gather [hbm4b:s10+s5], $0x80, v3, vm0, $0xb8;
	[tilespmem:$0x14380] =	vst v63  }
0x34: {  	s20 =	simm.s32 $0x7380  }
0x35: {  	[tilespmem:s20], [sflag:$0x1] =	stream.indirect_vreg.gather [hbm4b:s11+s5], $0x80, v3, vm0, $0xb8;
	[tilespmem:$0x14380] =	vst v63  }
0x36: {  	s21 =	simm.s32 $0x7B80  }
0x37: {  	[tilespmem:s21], [sflag:$0x1] =	stream.indirect_vreg.gather [hbm4b:s12+s5], $0x80, v3, vm0, $0xb8;
	[tilespmem:$0x14380] =	vst v63  }
0x38: {  	v3 =	vld [tilespmem:$0x10];
	_ =	sdelay $0x4  }
0x39: {  	v63 =	vshll.u32 v3, $0x3  }
0x3a: {  	v3 =	vand.u32 $0x7, v3;
	v4 =	vand.u32 $0xFFFFFFC0, v63  }
0x3b: {  	v3 =	vor.u32 v3, v4  }
0x3c: {  	v4 =	vperm.xlane v3, v0;
	_ =	sdelay $0x1  }
0x3d: {  	v4 =	vadd.s32 v1, v4;
	_ =	sdelay $0x3  }
0x3e: {  	s22 =	simm.s32 $0x8380  }
0x3f: {  	[tilespmem:s22], [sflag:$0x2] =	stream.indirect_vreg.gather [hbm4b:s1+s5], $0x80, v4, vm0, $0xb8;
	[tilespmem:$0x14380] =	vst v63  }
0x40: {  	s23 =	simm.s32 $0x8B80;
	v3 =	vperm.xlane v3, v2  }
0x41: {  	[tilespmem:s23], [sflag:$0x2] =	stream.indirect_vreg.gather [hbm4b:s10+s5], $0x80, v4, vm0, $0xb8;
	[tilespmem:$0x14380] =	vst v63  }
0x42: {  	s24 =	simm.s32 $0x9380;
	v3 =	vadd.s32 v1, v3  }
0x43: {  	[tilespmem:s24], [sflag:$0x2] =	stream.indirect_vreg.gather [hbm4b:s11+s5], $0x80, v4, vm0, $0xb8;
	[tilespmem:$0x14380] =	vst v63  }
0x44: {  	s25 =	simm.s32 $0x9B80  }
0x45: {  	[tilespmem:s25], [sflag:$0x2] =	stream.indirect_vreg.gather [hbm4b:s12+s5], $0x80, v4, vm0, $0xb8;
	[tilespmem:$0x14380] =	vst v63  }
0x46: {  	s26 =	simm.s32 $0xA380  }
0x47: {  	[tilespmem:s26], [sflag:$0x2] =	stream.indirect_vreg.gather [hbm4b:s1+s5], $0x80, v3, vm0, $0xb8;
	[tilespmem:$0x14380] =	vst v63  }
0x48: {  	s28 =	simm.s32 $0xAB80  }
0x49: {  	[tilespmem:s28], [sflag:$0x2] =	stream.indirect_vreg.gather [hbm4b:s10+s5], $0x80, v3, vm0, $0xb8;
	[tilespmem:$0x14380] =	vst v63  }
0x4a: {  	s29 =	simm.s32 $0xB380  }
0x4b: {  	[tilespmem:s29], [sflag:$0x2] =	stream.indirect_vreg.gather [hbm4b:s11+s5], $0x80, v3, vm0, $0xb8;
	[tilespmem:$0x14380] =	vst v63  }
0x4c: {  	s30 =	simm.s32 $0xBB80;
	s14 =	simm.s32 $0x0;
	s17 =	rddreg [dreg:$0x6]  }
0x4d: {  	[tilespmem:s30], [sflag:$0x2] =	stream.indirect_vreg.gather [hbm4b:s12+s5], $0x80, v3, vm0, $0xb8;
	[tilespmem:$0x14380] =	vst v63  }
.LBB2_2:
0x4e: {  	s19 =	sshll.u32 s14, $0x1  }
0x4f: {  	s20 =	sadd.s32 s6, s19  }
0x50: {  	s18 =	sshrl.u32 s20, $0x5  }
0x51: {  	p0 =	seq.s32 s18, s17  }
0x52: {  	s17 =	sshll.u32 @!p0 s18, $0xB  }
0x53: {  	s3 =	rddreg [dreg:$0x2];
	s17 =	sand.u32 @!p0 $0x1FFFF800, s17  }
0x54: {  	s21 =	simm.s32 @!p0 $0x0;
	s22 =	simm.s32 @!p0 $0x380;
	s17 =	sadd.s32 @!p0 s3, s17  }
0x55: {  	[tilespmem:s22], [sflag:$0x7] =	stream.linear.gather @!p0 [hbm4b:s17+s21], $0x4000, $0x38;
	[tilespmem:$0x14380] =	vst v63  }
0x56: {  	s17 =	simm.s32 @!p0 $0x7  }
0x57: {  	_ =	swait.ge @!p0 [sflag:s17], $0x4000  }
0x58: {  	[sflag:s17] =	ssyncset.done @!p0 $0x0  }
0x59: {  	[sflag:s17] =	ssyncadd.s32 @!p0 $0xFFFFC000  }
0x5a: {  	_ =	swait.ge [sflag:s0], $0x4000  }
0x5b: {  	s9 =	simm.s32 $0x0;
	[sflag:s0] =	ssyncset.done $0x0  }
0x5c: {  	s16 =	sand.u32 $0x2000, s9;
	[sflag:s0] =	ssyncadd.s32 $0xFFFFC000  }
0x5d: {  	s24 =	sand.u32 $0x1800, s9;
	s25 =	sand.u32 $0x380, s9;
	_ =	swait.ge [sflag:s15], $0x4000  }
0x5e: {  	s29 =	sor.u32 s16, s25;
	s26 =	sor.u32 $0x400, s24;
	[sflag:s15] =	ssyncset.done $0x0  }
0x5f: {  	s17 =	sor.u32 s26, s29;
	[sflag:s15] =	ssyncadd.s32 $0xFFFFC000  }
0x60: {  	v7 =	vld [tilespmem:s17+$0x380]  }
0x61: {  	s28 =	sor.u32 $0x4380, s16;
	s22 =	sor.u32 s24, s29;
	v3 =	vld [tilespmem:s17+$0x4380]  }
0x62: {  	s23 =	sor.u32 s24, s28;
	v8 =	vld [tilespmem:s22+$0x380]  }
0x63: {  	s23 =	sadd.s32 s25, s23;
	v4 =	vld [tilespmem:s22+$0x4380]  }
0x64: {  	v9 =	vld [tilespmem:s23+$0x4010]  }
0x65: {  	v10 =	vld [tilespmem:s23+$0x4020]  }
0x66: {  	v11 =	vld [tilespmem:s23+$0x4030]  }
0x67: {  	v12 =	vld [tilespmem:s23+$0x4040]  }
0x68: {  	s21 =	sor.u32 $0x8380, s16;
	v13 =	vld [tilespmem:s23+$0x4050]  }
0x69: {  	s30 =	sor.u32 s26, s28;
	s29 =	sor.u32 s26, s21;
	s21 =	sor.u32 s24, s21;
	v15 =	vld [tilespmem:s23+$0x4060]  }
0x6a: {  	s24 =	sadd.s32 s25, s21;
	s21 =	sadd.s32 s25, s30;
	v17 =	vld [tilespmem:s23+$0x4070]  }
0x6b: {  	v18 =	vld [tilespmem:s21+$0x4010]  }
0x6c: {  	v19 =	vld [tilespmem:s21+$0x4020]  }
0x6d: {  	v20 =	vld [tilespmem:s21+$0x4030]  }
0x6e: {  	v6 =	vld [tilespmem:s21+$0x4040]  }
0x6f: {  	v5 =	vld [tilespmem:s21+$0x4050];
	v3 =	vadd.f32 v3, v7  }
0x70: {  	v21 =	vld [tilespmem:s22+$0x390];
	v4 =	vadd.f32 v4, v8  }
0x71: {  	s29 =	sadd.s32 s25, s29;
	v22 =	vld [tilespmem:s22+$0x4390];
	[tilespmem:s17+$0x4380] =	vst v3  }
0x72: {  	[tilespmem:s22+$0x4380] =	vst v4;
	v14 =	vld [tilespmem:s29+$0x0]  }
0x73: {  	v16 =	vld [tilespmem:s24+$0x0]  }
0x74: {  	v23 =	vld [tilespmem:s22+$0x3A0]  }
0x75: {  	v60 =	vld [tilespmem:s22+$0x3B0]  }
0x76: {  	v61 =	vld [tilespmem:s22+$0x3C0]  }
0x77: {  	v7 =	vadd.f32 v14, v7;
	v14 =	vld [tilespmem:s22+$0x43A0]  }
0x78: {  	v62 =	vld [tilespmem:s17+$0x3B0];
	v8 =	vadd.f32 v16, v8  }
0x79: {  	[tilespmem:s29+$0x0] =	vst v7;
	v7 =	vadd.f32 v9, v21;
	v9 =	vld [tilespmem:s22+$0x43B0]  }
0x7a: {  	v63 =	vld [tilespmem:s17+$0x43B0];
	[tilespmem:s24+$0x0] =	vst v8;
	v8 =	vadd.f32 v22, v21  }
0x7b: {  	[tilespmem:s23+$0x4010] =	vst v7;
	v7 =	vadd.f32 v10, v23;
	v10 =	vld [tilespmem:s22+$0x43C0]  }
0x7c: {  	[tilespmem:s22+$0x4390] =	vst v8;
	v8 =	vadd.f32 v14, v23;
	v14 =	vld [tilespmem:s22+$0x3D0]  }
0x7d: {  	[tilespmem:s23+$0x4020] =	vst v7;
	v7 =	vadd.f32 v11, v60;
	v11 =	vld [tilespmem:s22+$0x43D0]  }
0x7e: {  	[tilespmem:s22+$0x43A0] =	vst v8;
	v8 =	vadd.f32 v9, v60;
	v9 =	vld [tilespmem:s22+$0x3E0]  }
0x7f: {  	[tilespmem:s23+$0x4030] =	vst v7;
	v7 =	vadd.f32 v12, v61;
	v12 =	vld [tilespmem:s22+$0x43E0]  }
0x80: {  	[tilespmem:s22+$0x43B0] =	vst v8;
	v8 =	vadd.f32 v10, v61;
	v10 =	vld [tilespmem:s22+$0x3F0]  }
0x81: {  	[tilespmem:s23+$0x4040] =	vst v7;
	v7 =	vadd.f32 v13, v14;
	v13 =	vld [tilespmem:s22+$0x43F0]  }
0x82: {  	[tilespmem:s22+$0x43C0] =	vst v8;
	v8 =	vadd.f32 v11, v14;
	v11 =	vld [tilespmem:s17+$0x390]  }
0x83: {  	v14 =	vld [tilespmem:s17+$0x4390];
	[tilespmem:s23+$0x4050] =	vst v7;
	v7 =	vadd.f32 v15, v9  }
0x84: {  	[tilespmem:s22+$0x43D0] =	vst v8;
	v8 =	vadd.f32 v12, v9;
	v12 =	vld [tilespmem:s17+$0x3A0]  }
0x85: {  	v15 =	vld [tilespmem:s17+$0x43A0];
	[tilespmem:s23+$0x4060] =	vst v7;
	v7 =	vadd.f32 v17, v10  }
0x86: {  	v4 =	vld [tilespmem:s21+$0x4060];
	[tilespmem:s22+$0x43E0] =	vst v8;
	v8 =	vadd.f32 v13, v10  }
0x87: {  	v3 =	vld [tilespmem:s21+$0x4070];
	[tilespmem:s23+$0x4070] =	vst v7;
	v7 =	vadd.f32 v18, v11  }
0x88: {  	v9 =	vld [tilespmem:s17+$0x3C0];
	[tilespmem:s22+$0x43F0] =	vst v8;
	v8 =	vadd.f32 v14, v11  }
0x89: {  	v11 =	vld [tilespmem:s17+$0x43C0];
	[tilespmem:s21+$0x4010] =	vst v7;
	v7 =	vadd.f32 v19, v12  }
0x8a: {  	v12 =	vadd.f32 v15, v12;
	[tilespmem:s17+$0x4390] =	vst v8;
	v8 =	vld [tilespmem:s17+$0x3D0]  }
0x8b: {  	s25 =	simm.s32 $0x100;
	v10 =	vld [tilespmem:s17+$0x43D0];
	v13 =	vadd.f32 v20, v62;
	[tilespmem:s21+$0x4020] =	vst v7  }
0x8c: {  	s24 =	simm.s32 $0x800;
	s23 =	simm.s32 $0x20;
	s22 =	simm.s32 $0x0;
	v7 =	vld [tilespmem:s17+$0x3E0];
	[tilespmem:s17+$0x43A0] =	vst v12;
	v12 =	vadd.f32 v63, v62  }
.LBB2_3:
0x8d: {  	s29 =	sand.u32 $0x2000, s25;
	s30 =	sand.u32 $0x1800, s24;
	s3 =	sand.u32 $0x380, s23;
	[tilespmem:s21+$0x4030] =	vst v13;
	v6 =	vadd.f32 v6, v9;
	v13 =	vld [tilespmem:s17+$0x43E0]  }
0x8e: {  	s22 =	sadd.s32 $0x10, s22;
	s28 =	sor.u32 s29, s3;
	s4 =	sor.u32 $0x400, s30;
	[tilespmem:s17+$0x43B0] =	vst v12;
	v9 =	vadd.f32 v11, v9;
	v11 =	vld [tilespmem:s17+$0x3F0]  }
0x8f: {  	p0 =	slt.u32 s22, $0x3F0;
	s26 =	sor.u32 s30, s28;
	s16 =	sor.u32 s4, s28;
	[tilespmem:s21+$0x4040] =	vst v6;
	v5 =	vadd.f32 v5, v8;
	v6 =	vld [tilespmem:s17+$0x43F0]  }
0x90: {  	s28 =	sor.u32 $0x4380, s29;
	v12 =	vld [tilespmem:s16+$0x380];
	[tilespmem:s17+$0x43C0] =	vst v9;
	v8 =	vadd.f32 v10, v8  }
0x91: {  	s7 =	sor.u32 s30, s28;
	s9 =	sor.u32 s4, s28;
	v9 =	vld [tilespmem:s16+$0x4380];
	[tilespmem:s21+$0x4050] =	vst v5;
	v4 =	vadd.f32 v4, v7  }
0x92: {  	s28 =	sadd.s32 s3, s7;
	s7 =	sadd.s32 s3, s9;
	v5 =	vld [tilespmem:s26+$0x380];
	[tilespmem:s17+$0x43D0] =	vst v8;
	v7 =	vadd.f32 v13, v7  }
0x93: {  	v8 =	vld [tilespmem:s26+$0x4380];
	[tilespmem:s21+$0x4060] =	vst v4;
	v3 =	vadd.f32 v3, v11  }
0x94: {  	v10 =	vld [tilespmem:s28+$0x4010];
	[tilespmem:s17+$0x43E0] =	vst v7;
	v4 =	vadd.f32 v6, v11  }
0x95: {  	v7 =	vld [tilespmem:s28+$0x4020];
	[tilespmem:s21+$0x4070] =	vst v3;
	s21 =	smov.u32 s7  }
0x96: {  	s7 =	sor.u32 $0x8380, s29;
	v11 =	vld [tilespmem:s28+$0x4030];
	v3 =	vadd.f32 v9, v12;
	[tilespmem:s17+$0x43F0] =	vst v4;
	s17 =	smov.u32 s16  }
0x97: {  	s9 =	sor.u32 s30, s7;
	s4 =	sor.u32 s4, s7;
	v9 =	vld [tilespmem:s28+$0x4040]  }
0x98: {  	s7 =	sadd.s32 s3, s9;
	s3 =	sadd.s32 s3, s4;
	v4 =	vadd.f32 v8, v5;
	v8 =	vld [tilespmem:s28+$0x4050];
	[tilespmem:s17+$0x4380] =	vst v3  }
0x99: {  	v3 =	vld [tilespmem:s3+$0x0]  }
0x9a: {  	[tilespmem:s26+$0x4380] =	vst v4;
	v13 =	vld [tilespmem:s28+$0x4060]  }
0x9b: {  	v4 =	vld [tilespmem:s7+$0x0]  }
0x9c: {  	v14 =	vld [tilespmem:s28+$0x4070]  }
0x9d: {  	v15 =	vld [tilespmem:s21+$0x4010]  }
0x9e: {  	v3 =	vadd.f32 v3, v12;
	v12 =	vld [tilespmem:s21+$0x4020]  }
0x9f: {  	v16 =	vld [tilespmem:s21+$0x4030]  }
0xa0: {  	v4 =	vadd.f32 v4, v5;
	[tilespmem:s3+$0x0] =	vst v3;
	v6 =	vld [tilespmem:s21+$0x4040]  }
0xa1: {  	v5 =	vld [tilespmem:s21+$0x4050]  }
0xa2: {  	[tilespmem:s7+$0x0] =	vst v4;
	v4 =	vld [tilespmem:s21+$0x4060]  }
0xa3: {  	v3 =	vld [tilespmem:s21+$0x4070]  }
0xa4: {  	v17 =	vld [tilespmem:s26+$0x390]  }
0xa5: {  	v18 =	vld [tilespmem:s26+$0x4390]  }
0xa6: {  	v19 =	vld [tilespmem:s26+$0x3A0]  }
0xa7: {  	v20 =	vld [tilespmem:s26+$0x43A0]  }
0xa8: {  	v21 =	vld [tilespmem:s26+$0x3B0]  }
0xa9: {  	v10 =	vadd.f32 v10, v17;
	v22 =	vld [tilespmem:s26+$0x43B0]  }
0xaa: {  	v17 =	vadd.f32 v18, v17;
	v18 =	vld [tilespmem:s26+$0x3C0]  }
0xab: {  	[tilespmem:s28+$0x4010] =	vst v10;
	v7 =	vadd.f32 v7, v19;
	v10 =	vld [tilespmem:s26+$0x43C0]  }
0xac: {  	[tilespmem:s26+$0x4390] =	vst v17;
	v17 =	vadd.f32 v20, v19;
	v19 =	vld [tilespmem:s26+$0x3D0]  }
0xad: {  	[tilespmem:s28+$0x4020] =	vst v7;
	v7 =	vadd.f32 v11, v21;
	v11 =	vld [tilespmem:s26+$0x43D0]  }
0xae: {  	[tilespmem:s26+$0x43A0] =	vst v17;
	v17 =	vadd.f32 v22, v21;
	v20 =	vld [tilespmem:s26+$0x3E0]  }
0xaf: {  	[tilespmem:s28+$0x4030] =	vst v7;
	v7 =	vadd.f32 v9, v18;
	v9 =	vld [tilespmem:s26+$0x43E0]  }
0xb0: {  	[tilespmem:s26+$0x43B0] =	vst v17;
	v10 =	vadd.f32 v10, v18;
	v17 =	vld [tilespmem:s26+$0x3F0]  }
0xb1: {  	[tilespmem:s28+$0x4040] =	vst v7;
	v7 =	vadd.f32 v8, v19;
	v8 =	vld [tilespmem:s26+$0x43F0]  }
0xb2: {  	[tilespmem:s26+$0x43C0] =	vst v10;
	v10 =	vadd.f32 v11, v19;
	v11 =	vld [tilespmem:s17+$0x390]  }
0xb3: {  	[tilespmem:s28+$0x4050] =	vst v7;
	v7 =	vadd.f32 v13, v20;
	v13 =	vld [tilespmem:s17+$0x4390]  }
0xb4: {  	[tilespmem:s26+$0x43D0] =	vst v10;
	v9 =	vadd.f32 v9, v20;
	v10 =	vld [tilespmem:s17+$0x3A0]  }
0xb5: {  	[tilespmem:s28+$0x4060] =	vst v7;
	v7 =	vadd.f32 v14, v17;
	v14 =	vld [tilespmem:s17+$0x43A0]  }
0xb6: {  	[tilespmem:s26+$0x43E0] =	vst v9;
	v8 =	vadd.f32 v8, v17;
	v17 =	vld [tilespmem:s17+$0x3B0]  }
0xb7: {  	[tilespmem:s28+$0x4070] =	vst v7;
	v7 =	vadd.f32 v15, v11;
	v15 =	vld [tilespmem:s17+$0x43B0]  }
.Ltmp2:
0xb8: {  	[tilespmem:s26+$0x43F0] =	vst v8;
	v8 =	vadd.f32 v13, v11;
	v9 =	vld [tilespmem:s17+$0x3C0];
	(pc) =	sbr.rel @p0 .LBB2_3-.Ltmp2, $4  }
0xb9: {  	[tilespmem:s21+$0x4010] =	vst v7;
	v7 =	vadd.f32 v12, v10;
	v11 =	vld [tilespmem:s17+$0x43C0]  }
0xba: {  	[tilespmem:s17+$0x4390] =	vst v8;
	v12 =	vadd.f32 v14, v10;
	v8 =	vld [tilespmem:s17+$0x3D0]  }
0xbb: {  	[tilespmem:s21+$0x4020] =	vst v7;
	v13 =	vadd.f32 v16, v17;
	v10 =	vld [tilespmem:s17+$0x43D0]  }
0xbc: {  	s23 =	sadd.s32 $0x20, s23;
	s24 =	sadd.s32 $0x800, s24;
	s25 =	sadd.s32 $0x100, s25;
	[tilespmem:s17+$0x43A0] =	vst v12;
	v12 =	vadd.f32 v15, v17;
	v7 =	vld [tilespmem:s17+$0x3E0]  }
0xbd: {  	[tilespmem:s21+$0x4030] =	vst v13;
	v6 =	vadd.f32 v6, v9;
	v57 =	vld [tilespmem:s17+$0x43E0]  }
0xbe: {  	[tilespmem:s17+$0x43B0] =	vst v12;
	v9 =	vadd.f32 v11, v9;
	v11 =	vld [tilespmem:s17+$0x3F0]  }
0xbf: {  	[tilespmem:s21+$0x4040] =	vst v6;
	v5 =	vadd.f32 v5, v8;
	v6 =	vld [tilespmem:s17+$0x43F0]  }
0xc0: {  	s3 =	sshll.u32 s20, $0x1;
	[tilespmem:s17+$0x43C0] =	vst v9;
	v8 =	vadd.f32 v10, v8  }
0xc1: {  	s3 =	sand.u32 $0x3C, s3;
	[tilespmem:s21+$0x4050] =	vst v5;
	v4 =	vadd.f32 v4, v7  }
0xc2: {  	s3 =	smul.u32 $0x70000, s3;
	[tilespmem:s17+$0x43D0] =	vst v8;
	v5 =	vadd.f32 v57, v7  }
0xc3: {  	s4 =	sshll.u32 s18, $0xE;
	[tilespmem:s21+$0x4060] =	vst v4;
	v3 =	vadd.f32 v3, v11  }
0xc4: {  	s22 =	rddreg [dreg:$0x3];
	s3 =	sadd.s32 s4, s3;
	[tilespmem:s17+$0x43E0] =	vst v5;
	v4 =	vadd.f32 v6, v11  }
0xc5: {  	s23 =	simm.s32 $0x4380;
	s7 =	simm.s32 $0x4000;
	s3 =	sshrl.u32 s3, $0x3;
	[tilespmem:s21+$0x4070] =	vst v3  }
0xc6: {  	s9 =	simm.s32 $0x70000;
	p0 =	seq.s32 s14, $0x0;
	s3 =	sadd.s32 s22, s3;
	[tilespmem:s17+$0x43F0] =	vst v4  }
0xc7: {  	[hbm4b:s3+s7] =	stream.strided.scatter [tilespmem:s23], [sflag:$0x5], $0x8000, s9, s7, $0x38;
	[tilespmem:$0x14380] =	vst v63  }
0xc8: {  	s3 =	simm.s32 @!p0 $0x6  }
0xc9: {  	s4 =	sor.u32 $0x1, s19;
	_ =	swait.ge @!p0 [sflag:s3], $0x8000  }
0xca: {  	s24 =	sshll.u32 s4, $0x5;
	[sflag:s3] =	ssyncset.done @!p0 $0x0  }
0xcb: {  	s25 =	sand.u32 $0x3FFFFFE0, s24;
	[sflag:s3] =	ssyncadd.s32 @!p0 $0xFFFF8000  }
0xcc: {  	v3 =	vld [tilespmem:s25+$0x0];
	_ =	sdelay $0x4  }
0xcd: {  	v4 =	vshll.u32 v3, $0x3  }
0xce: {  	v3 =	vand.u32 $0x7, v3;
	v4 =	vand.u32 $0xFFFFFFC0, v4  }
0xcf: {  	v3 =	vor.u32 v3, v4  }
0xd0: {  	v4 =	vperm.xlane v3, v0;
	_ =	sdelay $0x1  }
0xd1: {  	v4 =	vadd.s32 v1, v4;
	_ =	sdelay $0x4  }
0xd2: {  	[tilespmem:s13], [sflag:$0x3] =	stream.indirect_vreg.gather [hbm4b:s1+s5], $0x80, v4, vm0, $0xb8;
	[tilespmem:$0x14380] =	vst v63  }
0xd3: {  	s26 =	simm.s32 $0xCB80;
	v3 =	vperm.xlane v3, v2  }
0xd4: {  	[tilespmem:s26], [sflag:$0x3] =	stream.indirect_vreg.gather [hbm4b:s10+s5], $0x80, v4, vm0, $0xb8;
	[tilespmem:$0x14380] =	vst v63  }
0xd5: {  	s28 =	simm.s32 $0xD380;
	v3 =	vadd.s32 v1, v3  }
0xd6: {  	[tilespmem:s28], [sflag:$0x3] =	stream.indirect_vreg.gather [hbm4b:s11+s5], $0x80, v4, vm0, $0xb8;
	[tilespmem:$0x14380] =	vst v63  }
0xd7: {  	s29 =	simm.s32 $0xDB80  }
0xd8: {  	[tilespmem:s29], [sflag:$0x3] =	stream.indirect_vreg.gather [hbm4b:s12+s5], $0x80, v4, vm0, $0xb8;
	[tilespmem:$0x14380] =	vst v63  }
0xd9: {  	s30 =	simm.s32 $0xE380  }
0xda: {  	[tilespmem:s30], [sflag:$0x3] =	stream.indirect_vreg.gather [hbm4b:s1+s5], $0x80, v3, vm0, $0xb8;
	[tilespmem:$0x14380] =	vst v63  }
0xdb: {  	s9 =	simm.s32 $0xEB80  }
0xdc: {  	[tilespmem:s9], [sflag:$0x3] =	stream.indirect_vreg.gather [hbm4b:s10+s5], $0x80, v3, vm0, $0xb8;
	[tilespmem:$0x14380] =	vst v63  }
0xdd: {  	s16 =	simm.s32 $0xF380  }
0xde: {  	[tilespmem:s16], [sflag:$0x3] =	stream.indirect_vreg.gather [hbm4b:s11+s5], $0x80, v3, vm0, $0xb8;
	[tilespmem:$0x14380] =	vst v63  }
0xdf: {  	s17 =	simm.s32 $0xFB80  }
0xe0: {  	[tilespmem:s17], [sflag:$0x3] =	stream.indirect_vreg.gather [hbm4b:s12+s5], $0x80, v3, vm0, $0xb8;
	[tilespmem:$0x14380] =	vst v63  }
0xe1: {  	v3 =	vld [tilespmem:s25+$0x10];
	_ =	sdelay $0x4  }
0xe2: {  	v4 =	vshll.u32 v3, $0x3  }
0xe3: {  	v3 =	vand.u32 $0x7, v3;
	v4 =	vand.u32 $0xFFFFFFC0, v4  }
0xe4: {  	v3 =	vor.u32 v3, v4  }
0xe5: {  	v4 =	vperm.xlane v3, v0;
	_ =	sdelay $0x1  }
0xe6: {  	v4 =	vadd.s32 v1, v4;
	_ =	sdelay $0x3  }
0xe7: {  	s19 =	simm.s32 $0x10380  }
0xe8: {  	[tilespmem:s19], [sflag:$0x4] =	stream.indirect_vreg.gather [hbm4b:s1+s5], $0x80, v4, vm0, $0xb8;
	[tilespmem:$0x14380] =	vst v63  }
0xe9: {  	s20 =	simm.s32 $0x10B80;
	v3 =	vperm.xlane v3, v2  }
0xea: {  	[tilespmem:s20], [sflag:$0x4] =	stream.indirect_vreg.gather [hbm4b:s10+s5], $0x80, v4, vm0, $0xb8;
	[tilespmem:$0x14380] =	vst v63  }
0xeb: {  	s21 =	simm.s32 $0x11380;
	v3 =	vadd.s32 v1, v3  }
0xec: {  	[tilespmem:s21], [sflag:$0x4] =	stream.indirect_vreg.gather [hbm4b:s11+s5], $0x80, v4, vm0, $0xb8;
	[tilespmem:$0x14380] =	vst v63  }
0xed: {  	s22 =	simm.s32 $0x11B80;
	s19 =	sadd.s32 s6, s4  }
0xee: {  	[tilespmem:s22], [sflag:$0x4] =	stream.indirect_vreg.gather [hbm4b:s12+s5], $0x80, v4, vm0, $0xb8;
	[tilespmem:$0x14380] =	vst v63  }
0xef: {  	s23 =	simm.s32 $0x12380;
	s17 =	sshrl.u32 s19, $0x5  }
0xf0: {  	[tilespmem:s23], [sflag:$0x4] =	stream.indirect_vreg.gather [hbm4b:s1+s5], $0x80, v3, vm0, $0xb8;
	[tilespmem:$0x14380] =	vst v63  }
0xf1: {  	s24 =	simm.s32 $0x12B80;
	p0 =	seq.s32 s17, s18  }
0xf2: {  	[tilespmem:s24], [sflag:$0x4] =	stream.indirect_vreg.gather [hbm4b:s10+s5], $0x80, v3, vm0, $0xb8;
	[tilespmem:$0x14380] =	vst v63  }
0xf3: {  	s25 =	simm.s32 $0x13380;
	s3 =	sshll.u32 @!p0 s17, $0xB  }
0xf4: {  	[tilespmem:s25], [sflag:$0x4] =	stream.indirect_vreg.gather [hbm4b:s11+s5], $0x80, v3, vm0, $0xb8;
	[tilespmem:$0x14380] =	vst v63  }
0xf5: {  	s26 =	simm.s32 $0x13B80;
	s4 =	rddreg [dreg:$0x2];
	s3 =	sand.u32 @!p0 $0x1FFFF800, s3  }
0xf6: {  	[tilespmem:s26], [sflag:$0x4] =	stream.indirect_vreg.gather [hbm4b:s12+s5], $0x80, v3, vm0, $0xb8;
	[tilespmem:$0x14380] =	vst v63  }
0xf7: {  	s7 =	simm.s32 @!p0 $0x380;
	s3 =	sadd.s32 @!p0 s4, s3;
	s4 =	simm.s32 @!p0 $0x0  }
0xf8: {  	[tilespmem:s7], [sflag:$0x7] =	stream.linear.gather @!p0 [hbm4b:s3+s4], $0x4000, $0x38;
	[tilespmem:$0x14380] =	vst v63  }
0xf9: {  	s3 =	simm.s32 @!p0 $0x7  }
0xfa: {  	_ =	swait.ge @!p0 [sflag:s3], $0x4000  }
0xfb: {  	[sflag:s3] =	ssyncset.done @!p0 $0x0  }
0xfc: {  	[sflag:s3] =	ssyncadd.s32 @!p0 $0xFFFFC000  }
0xfd: {  	s28 =	simm.s32 $0x0;
	_ =	swait.ge [sflag:s31], $0x4000  }
0xfe: {  	s30 =	sand.u32 $0x1800, s28;
	[sflag:s31] =	ssyncset.done $0x0  }
0xff: {  	s29 =	sand.u32 $0x2000, s28;
	s16 =	sor.u32 $0x400, s30;
	[sflag:s31] =	ssyncadd.s32 $0xFFFFC000  }
0x100: {  	s20 =	sand.u32 $0x380, s28;
	s22 =	sor.u32 $0x380, s29;
	_ =	swait.ge [sflag:s2], $0x4000  }
0x101: {  	s23 =	sor.u32 $0xC380, s29;
	s24 =	sor.u32 s16, s22;
	[sflag:s2] =	ssyncset.done $0x0  }
0x102: {  	s18 =	sadd.s32 s20, s24;
	s25 =	sor.u32 s16, s23;
	[sflag:s2] =	ssyncadd.s32 $0xFFFFC000  }
0x103: {  	s9 =	sor.u32 s30, s22;
	s22 =	sadd.s32 s20, s25;
	v3 =	vld [tilespmem:s18+$0x0]  }
0x104: {  	s9 =	sadd.s32 s20, s9;
	s3 =	sor.u32 s30, s23;
	v4 =	vld [tilespmem:s22+$0x0]  }
0x105: {  	s23 =	sor.u32 $0x4380, s29;
	s3 =	sadd.s32 s20, s3;
	v5 =	vld [tilespmem:s9+$0x0]  }
0x106: {  	s26 =	sor.u32 s30, s23;
	v6 =	vld [tilespmem:s3+$0x0]  }
0x107: {  	s21 =	sadd.s32 s20, s26;
	v7 =	vld [tilespmem:s9+$0x10]  }
0x108: {  	v8 =	vld [tilespmem:s21+$0x8010]  }
0x109: {  	v9 =	vld [tilespmem:s21+$0xC010]  }
0x10a: {  	v10 =	vld [tilespmem:s9+$0x20]  }
0x10b: {  	v11 =	vld [tilespmem:s9+$0x30]  }
0x10c: {  	v58 =	vld [tilespmem:s9+$0x40]  }
0x10d: {  	v59 =	vld [tilespmem:s9+$0x50]  }
0x10e: {  	v14 =	vld [tilespmem:s9+$0x60]  }
0x10f: {  	s4 =	sor.u32 $0x10380, s29;
	v15 =	vld [tilespmem:s9+$0x70];
	v4 =	vadd.f32 v4, v3  }
0x110: {  	s28 =	sor.u32 s16, s4;
	v18 =	vld [tilespmem:s21+$0x8030]  }
0x111: {  	s9 =	sadd.s32 s20, s28;
	v19 =	vld [tilespmem:s21+$0xC030];
	[tilespmem:s22+$0x0] =	vst v4  }
0x112: {  	v4 =	vadd.f32 v6, v5;
	v16 =	vld [tilespmem:s9+$0x0]  }
0x113: {  	s4 =	sor.u32 s30, s4;
	v6 =	vld [tilespmem:s21+$0x8020]  }
0x114: {  	s29 =	sadd.s32 s20, s4;
	v20 =	vld [tilespmem:s21+$0x8040];
	[tilespmem:s3+$0x0] =	vst v4  }
0x115: {  	v17 =	vld [tilespmem:s29+$0x0]  }
0x116: {  	v8 =	vadd.f32 v8, v7;
	v4 =	vld [tilespmem:s21+$0xC020]  }
0x117: {  	v60 =	vld [tilespmem:s21+$0xC040];
	v3 =	vadd.f32 v16, v3  }
0x118: {  	s30 =	sor.u32 s16, s23;
	v21 =	vld [tilespmem:s21+$0x8050];
	[tilespmem:s21+$0x8010] =	vst v8;
	v6 =	vadd.f32 v6, v10  }
0x119: {  	s20 =	sadd.s32 s20, s30;
	v62 =	vld [tilespmem:s18+$0x20];
	[tilespmem:s9+$0x0] =	vst v3;
	v3 =	vadd.f32 v9, v7  }
0x11a: {  	v61 =	vld [tilespmem:s20+$0xC010];
	[tilespmem:s21+$0x8020] =	vst v6;
	v5 =	vadd.f32 v17, v5  }
0x11b: {  	v7 =	vld [tilespmem:s21+$0xC050];
	[tilespmem:s21+$0xC010] =	vst v3;
	v3 =	vadd.f32 v4, v10  }
0x11c: {  	v8 =	vld [tilespmem:s21+$0x8060];
	[tilespmem:s29+$0x0] =	vst v5;
	v5 =	vadd.f32 v19, v11  }
0x11d: {  	v4 =	vld [tilespmem:s21+$0xC060];
	[tilespmem:s21+$0xC020] =	vst v3;
	v3 =	vadd.f32 v18, v11  }
0x11e: {  	v6 =	vld [tilespmem:s21+$0x8070];
	[tilespmem:s21+$0xC030] =	vst v5;
	v5 =	vadd.f32 v60, v58  }
0x11f: {  	v9 =	vld [tilespmem:s21+$0xC070];
	[tilespmem:s21+$0x8030] =	vst v3;
	v3 =	vadd.f32 v20, v58  }
0x120: {  	v10 =	vld [tilespmem:s18+$0x10];
	[tilespmem:s21+$0xC040] =	vst v5;
	v5 =	vadd.f32 v7, v59  }
0x121: {  	v11 =	vld [tilespmem:s20+$0x8010];
	[tilespmem:s21+$0x8040] =	vst v3;
	v3 =	vadd.f32 v21, v59  }
0x122: {  	v7 =	vld [tilespmem:s20+$0x8020];
	v4 =	vadd.f32 v4, v14;
	[tilespmem:s21+$0xC050] =	vst v5  }
0x123: {  	v5 =	vld [tilespmem:s18+$0x30];
	[tilespmem:s21+$0x8050] =	vst v3;
	v3 =	vadd.f32 v8, v14  }
0x124: {  	[tilespmem:s21+$0xC060] =	vst v4;
	v4 =	vadd.f32 v9, v15;
	v9 =	vld [tilespmem:s20+$0xC030]  }
0x125: {  	v8 =	vld [tilespmem:s20+$0xC020];
	[tilespmem:s21+$0x8060] =	vst v3;
	v3 =	vadd.f32 v6, v15  }
0x126: {  	v6 =	vld [tilespmem:s20+$0x8030]  }
0x127: {  	[tilespmem:s21+$0x8070] =	vst v3;
	v3 =	vadd.f32 v11, v10;
	v11 =	vld [tilespmem:s18+$0x40]  }
0x128: {  	[tilespmem:s21+$0xC070] =	vst v4;
	v4 =	vadd.f32 v61, v10;
	v10 =	vld [tilespmem:s20+$0x8040]  }
0x129: {  	v63 =	vld [tilespmem:s20+$0xC040];
	[tilespmem:s20+$0x8010] =	vst v3;
	v3 =	vadd.f32 v7, v62  }
0x12a: {  	[tilespmem:s20+$0xC010] =	vst v4;
	v4 =	vld [tilespmem:s18+$0x50];
	v8 =	vadd.f32 v8, v62  }
0x12b: {  	v7 =	vld [tilespmem:s20+$0x8050];
	[tilespmem:s20+$0x8020] =	vst v3;
	v3 =	vadd.f32 v6, v5  }
0x12c: {  	[tilespmem:s20+$0xC020] =	vst v8;
	v5 =	vadd.f32 v9, v5;
	v6 =	vld [tilespmem:s20+$0xC050]  }
0x12d: {  	s24 =	simm.s32 $0x100;
	v9 =	vadd.f32 v10, v11;
	[tilespmem:s20+$0x8030] =	vst v3;
	v3 =	vld [tilespmem:s18+$0x60]  }
0x12e: {  	s23 =	simm.s32 $0x800;
	s22 =	simm.s32 $0x20;
	s21 =	simm.s32 $0x0;
	v8 =	vadd.f32 v63, v11;
	[tilespmem:s20+$0xC030] =	vst v5;
	v5 =	vld [tilespmem:s20+$0x8060]  }
.LBB2_5:
0x12f: {  	s3 =	sand.u32 $0x2000, s24;
	s4 =	sand.u32 $0x1800, s23;
	s28 =	sand.u32 $0x380, s22;
	[tilespmem:s20+$0x8040] =	vst v9;
	v9 =	vld [tilespmem:s20+$0xC060]  }
0x130: {  	s21 =	sadd.s32 $0x10, s21;
	s7 =	sor.u32 $0x380, s3;
	s9 =	sor.u32 $0x400, s4;
	[tilespmem:s20+$0xC040] =	vst v8;
	v7 =	vadd.f32 v7, v4;
	v8 =	vld [tilespmem:s18+$0x70]  }
0x131: {  	s16 =	sor.u32 $0xC380, s3;
	p0 =	slt.u32 s21, $0x3F0;
	s18 =	sor.u32 s9, s7;
	v4 =	vadd.f32 v6, v4;
	v6 =	vld [tilespmem:s20+$0x8070]  }
0x132: {  	s7 =	sor.u32 s4, s7;
	s25 =	sor.u32 s9, s16;
	s18 =	sadd.s32 s28, s18;
	[tilespmem:s20+$0x8050] =	vst v7;
	v7 =	vld [tilespmem:s20+$0xC070]  }
0x133: {  	s26 =	sadd.s32 s28, s7;
	s7 =	sor.u32 s4, s16;
	s16 =	sadd.s32 s28, s25;
	v10 =	vld [tilespmem:s18+$0x0];
	[tilespmem:s20+$0xC050] =	vst v4;
	v4 =	vadd.f32 v5, v3  }
0x134: {  	s25 =	sor.u32 $0x4380, s3;
	s7 =	sadd.s32 s28, s7;
	v5 =	vld [tilespmem:s16+$0x0];
	v3 =	vadd.f32 v9, v3  }
0x135: {  	s29 =	sor.u32 s4, s25;
	s30 =	sor.u32 s9, s25;
	v9 =	vld [tilespmem:s26+$0x0];
	[tilespmem:s20+$0x8060] =	vst v4  }
0x136: {  	s25 =	sadd.s32 s28, s29;
	s29 =	sadd.s32 s28, s30;
	v4 =	vld [tilespmem:s7+$0x0];
	[tilespmem:s20+$0xC060] =	vst v3;
	v3 =	vadd.f32 v6, v8  }
0x137: {  	v6 =	vld [tilespmem:s26+$0x10];
	v7 =	vadd.f32 v7, v8  }
0x138: {  	v8 =	vld [tilespmem:s25+$0x8010];
	[tilespmem:s20+$0x8070] =	vst v3  }
0x139: {  	s3 =	sor.u32 $0x10380, s3;
	v3 =	vld [tilespmem:s25+$0xC010];
	v5 =	vadd.f32 v5, v10;
	[tilespmem:s20+$0xC070] =	vst v7;
	s20 =	smov.u32 s29  }
0x13a: {  	s4 =	sor.u32 s4, s3;
	s3 =	sor.u32 s9, s3;
	v7 =	vld [tilespmem:s26+$0x20]  }
0x13b: {  	s4 =	sadd.s32 s28, s4;
	s3 =	sadd.s32 s28, s3;
	v4 =	vadd.f32 v4, v9;
	v11 =	vld [tilespmem:s25+$0x8020];
	[tilespmem:s16+$0x0] =	vst v5  }
0x13c: {  	v5 =	vld [tilespmem:s3+$0x0]  }
0x13d: {  	[tilespmem:s7+$0x0] =	vst v4;
	v4 =	vadd.f32 v8, v6;
	v8 =	vld [tilespmem:s25+$0xC020]  }
0x13e: {  	v12 =	vld [tilespmem:s4+$0x0];
	v3 =	vadd.f32 v3, v6  }
0x13f: {  	[tilespmem:s25+$0x8010] =	vst v4;
	v4 =	vld [tilespmem:s26+$0x30]  }
0x140: {  	[tilespmem:s25+$0xC010] =	vst v3;
	v3 =	vadd.f32 v11, v7;
	v6 =	vld [tilespmem:s25+$0x8030]  }
0x141: {  	v11 =	vld [tilespmem:s25+$0xC030];
	v5 =	vadd.f32 v5, v10  }
0x142: {  	[tilespmem:s25+$0x8020] =	vst v3;
	v3 =	vadd.f32 v8, v7;
	v7 =	vld [tilespmem:s26+$0x40]  }
0x143: {  	v8 =	vadd.f32 v12, v9;
	v9 =	vld [tilespmem:s25+$0x8040];
	[tilespmem:s3+$0x0] =	vst v5  }
0x144: {  	[tilespmem:s25+$0xC020] =	vst v3;
	v3 =	vld [tilespmem:s25+$0xC040]  }
0x145: {  	[tilespmem:s4+$0x0] =	vst v8;
	v5 =	vadd.f32 v6, v4;
	v6 =	vld [tilespmem:s26+$0x50]  }
0x146: {  	v4 =	vadd.f32 v11, v4;
	v8 =	vld [tilespmem:s25+$0x8050]  }
0x147: {  	[tilespmem:s25+$0x8030] =	vst v5;
	v5 =	vld [tilespmem:s25+$0xC050]  }
0x148: {  	[tilespmem:s25+$0xC030] =	vst v4;
	v4 =	vadd.f32 v9, v7;
	v9 =	vld [tilespmem:s26+$0x60]  }
0x149: {  	v3 =	vadd.f32 v3, v7;
	v7 =	vld [tilespmem:s25+$0x8060]  }
0x14a: {  	[tilespmem:s25+$0x8040] =	vst v4;
	v4 =	vld [tilespmem:s25+$0xC060]  }
0x14b: {  	[tilespmem:s25+$0xC040] =	vst v3;
	v3 =	vadd.f32 v8, v6;
	v8 =	vld [tilespmem:s26+$0x70]  }
0x14c: {  	v5 =	vadd.f32 v5, v6;
	v6 =	vld [tilespmem:s25+$0x8070]  }
0x14d: {  	[tilespmem:s25+$0x8050] =	vst v3;
	v3 =	vld [tilespmem:s25+$0xC070]  }
0x14e: {  	[tilespmem:s25+$0xC050] =	vst v5;
	v5 =	vadd.f32 v7, v9;
	v7 =	vld [tilespmem:s18+$0x10]  }
0x14f: {  	v4 =	vadd.f32 v4, v9;
	v9 =	vld [tilespmem:s20+$0x8010]  }
0x150: {  	[tilespmem:s25+$0x8060] =	vst v5;
	v5 =	vld [tilespmem:s20+$0xC010]  }
0x151: {  	[tilespmem:s25+$0xC060] =	vst v4;
	v4 =	vadd.f32 v6, v8;
	v6 =	vld [tilespmem:s18+$0x20]  }
0x152: {  	v3 =	vadd.f32 v3, v8;
	v8 =	vld [tilespmem:s20+$0x8020]  }
0x153: {  	[tilespmem:s25+$0x8070] =	vst v4;
	v4 =	vld [tilespmem:s20+$0xC020]  }
0x154: {  	[tilespmem:s25+$0xC070] =	vst v3;
	v3 =	vadd.f32 v9, v7;
	v9 =	vld [tilespmem:s18+$0x30]  }
0x155: {  	v5 =	vadd.f32 v5, v7;
	v7 =	vld [tilespmem:s20+$0x8030]  }
0x156: {  	[tilespmem:s20+$0x8010] =	vst v3;
	v3 =	vld [tilespmem:s20+$0xC030]  }
0x157: {  	[tilespmem:s20+$0xC010] =	vst v5;
	v5 =	vadd.f32 v8, v6;
	v8 =	vld [tilespmem:s18+$0x40]  }
0x158: {  	v4 =	vadd.f32 v4, v6;
	v10 =	vld [tilespmem:s20+$0x8040]  }
0x159: {  	[tilespmem:s20+$0x8020] =	vst v5;
	v5 =	vld [tilespmem:s20+$0xC040]  }
.Ltmp3:
0x15a: {  	[tilespmem:s20+$0xC020] =	vst v4;
	v6 =	vadd.f32 v7, v9;
	v4 =	vld [tilespmem:s18+$0x50];
	(pc) =	sbr.rel @p0 .LBB2_5-.Ltmp3, $4  }
0x15b: {  	v3 =	vadd.f32 v3, v9;
	v7 =	vld [tilespmem:s20+$0x8050]  }
0x15c: {  	[tilespmem:s20+$0x8030] =	vst v6;
	v6 =	vld [tilespmem:s20+$0xC050]  }
0x15d: {  	[tilespmem:s20+$0xC030] =	vst v3;
	v9 =	vadd.f32 v10, v8;
	v3 =	vld [tilespmem:s18+$0x60]  }
0x15e: {  	s22 =	sadd.s32 $0x20, s22;
	s23 =	sadd.s32 $0x800, s23;
	s24 =	sadd.s32 $0x100, s24;
	v8 =	vadd.f32 v5, v8;
	v5 =	vld [tilespmem:s20+$0x8060]  }
0x15f: {  	v10 =	vld [tilespmem:s20+$0xC060]  }
0x160: {  	v11 =	vld [tilespmem:s18+$0x70]  }
0x161: {  	v12 =	vld [tilespmem:s20+$0x8070]  }
0x162: {  	[tilespmem:s20+$0x8040] =	vst v9;
	v61 =	vld [tilespmem:s20+$0xC070];
	v7 =	vadd.f32 v7, v4  }
0x163: {  	s3 =	sshll.u32 s19, $0x1;
	[tilespmem:s20+$0xC040] =	vst v8;
	v62 =	vadd.f32 v6, v4  }
0x164: {  	s3 =	sand.u32 $0x3E, s3;
	[tilespmem:s20+$0x8050] =	vst v7;
	v5 =	vadd.f32 v5, v3  }
0x165: {  	s3 =	smul.u32 $0x70000, s3;
	[tilespmem:s20+$0xC050] =	vst v62;
	v3 =	vadd.f32 v10, v3  }
0x166: {  	s4 =	sshll.u32 s17, $0xE;
	v63 =	vadd.f32 v12, v11;
	[tilespmem:s20+$0x8060] =	vst v5  }
0x167: {  	s29 =	rddreg [dreg:$0x3];
	s3 =	sadd.s32 s4, s3;
	[tilespmem:s20+$0xC060] =	vst v3;
	v3 =	vadd.f32 v61, v11  }
0x168: {  	s30 =	simm.s32 $0x4000;
	p0 =	seq.s32 s14, $0xD;
	s3 =	sshrl.u32 s3, $0x3;
	[tilespmem:s20+$0x8070] =	vst v63  }
.Ltmp4:
0x169: {  	s7 =	simm.s32 $0x70000;
	s3 =	sadd.s32 s29, s3;
	[tilespmem:s20+$0xC070] =	vst v3;
	(pc) =	sbr.rel @p0 .LBB2_8-.Ltmp4, $4  }
0x16a: {  	[hbm4b:s3+s30] =	stream.strided.scatter [tilespmem:s13], [sflag:$0x6], $0x8000, s7, s30, $0x38;
	[tilespmem:$0x14380] =	vst v63  }
0x16b: {  	_ =	swait.ge [sflag:s8], $0x8000  }
0x16c: {  	[sflag:s8] =	ssyncset.done $0x0  }
0x16d: {  	[sflag:s8] =	ssyncadd.s32 $0xFFFF8000  }
0x16e: {  	s3 =	sshll.u32 s14, $0x6  }
0x16f: {  	s3 =	sand.u32 $0x3FFFFFC0, s3  }
0x170: {  	v3 =	vld [tilespmem:s3+$0x40];
	_ =	sdelay $0x4  }
0x171: {  	v4 =	vshll.u32 v3, $0x3  }
0x172: {  	v3 =	vand.u32 $0x7, v3;
	v4 =	vand.u32 $0xFFFFFFC0, v4  }
0x173: {  	v3 =	vor.u32 v3, v4  }
0x174: {  	v4 =	vperm.xlane v3, v0;
	_ =	sdelay $0x1  }
0x175: {  	v4 =	vadd.s32 v1, v4;
	_ =	sdelay $0x3  }
0x176: {  	s4 =	simm.s32 $0x4380  }
0x177: {  	[tilespmem:s4], [sflag:$0x1] =	stream.indirect_vreg.gather [hbm4b:s1+s5], $0x80, v4, vm0, $0xb8;
	[tilespmem:$0x14380] =	vst v63  }
0x178: {  	s7 =	simm.s32 $0x4B80;
	v3 =	vperm.xlane v3, v2  }
0x179: {  	[tilespmem:s7], [sflag:$0x1] =	stream.indirect_vreg.gather [hbm4b:s10+s5], $0x80, v4, vm0, $0xb8;
	[tilespmem:$0x14380] =	vst v63  }
0x17a: {  	s9 =	simm.s32 $0x5380;
	v3 =	vadd.s32 v1, v3  }
0x17b: {  	[tilespmem:s9], [sflag:$0x1] =	stream.indirect_vreg.gather [hbm4b:s11+s5], $0x80, v4, vm0, $0xb8;
	[tilespmem:$0x14380] =	vst v63  }
0x17c: {  	s16 =	simm.s32 $0x5B80  }
0x17d: {  	[tilespmem:s16], [sflag:$0x1] =	stream.indirect_vreg.gather [hbm4b:s12+s5], $0x80, v4, vm0, $0xb8;
	[tilespmem:$0x14380] =	vst v63  }
0x17e: {  	s18 =	simm.s32 $0x6380  }
0x17f: {  	[tilespmem:s18], [sflag:$0x1] =	stream.indirect_vreg.gather [hbm4b:s1+s5], $0x80, v3, vm0, $0xb8;
	[tilespmem:$0x14380] =	vst v63  }
0x180: {  	s19 =	simm.s32 $0x6B80  }
0x181: {  	[tilespmem:s19], [sflag:$0x1] =	stream.indirect_vreg.gather [hbm4b:s10+s5], $0x80, v3, vm0, $0xb8;
	[tilespmem:$0x14380] =	vst v63  }
0x182: {  	s20 =	simm.s32 $0x7380  }
0x183: {  	[tilespmem:s20], [sflag:$0x1] =	stream.indirect_vreg.gather [hbm4b:s11+s5], $0x80, v3, vm0, $0xb8;
	[tilespmem:$0x14380] =	vst v63  }
0x184: {  	s21 =	simm.s32 $0x7B80  }
0x185: {  	[tilespmem:s21], [sflag:$0x1] =	stream.indirect_vreg.gather [hbm4b:s12+s5], $0x80, v3, vm0, $0xb8;
	[tilespmem:$0x14380] =	vst v63  }
0x186: {  	v3 =	vld [tilespmem:s3+$0x50];
	_ =	sdelay $0x4  }
0x187: {  	v63 =	vshll.u32 v3, $0x3  }
0x188: {  	v3 =	vand.u32 $0x7, v3;
	v4 =	vand.u32 $0xFFFFFFC0, v63  }
0x189: {  	v3 =	vor.u32 v3, v4  }
0x18a: {  	v4 =	vperm.xlane v3, v0;
	_ =	sdelay $0x1  }
0x18b: {  	v4 =	vadd.s32 v1, v4;
	_ =	sdelay $0x3  }
0x18c: {  	s22 =	simm.s32 $0x8380  }
0x18d: {  	[tilespmem:s22], [sflag:$0x2] =	stream.indirect_vreg.gather [hbm4b:s1+s5], $0x80, v4, vm0, $0xb8;
	[tilespmem:$0x14380] =	vst v63  }
0x18e: {  	s23 =	simm.s32 $0x8B80;
	v3 =	vperm.xlane v3, v2  }
0x18f: {  	[tilespmem:s23], [sflag:$0x2] =	stream.indirect_vreg.gather [hbm4b:s10+s5], $0x80, v4, vm0, $0xb8;
	[tilespmem:$0x14380] =	vst v63  }
0x190: {  	s24 =	simm.s32 $0x9380;
	v3 =	vadd.s32 v1, v3  }
0x191: {  	[tilespmem:s24], [sflag:$0x2] =	stream.indirect_vreg.gather [hbm4b:s11+s5], $0x80, v4, vm0, $0xb8;
	[tilespmem:$0x14380] =	vst v63  }
0x192: {  	s25 =	simm.s32 $0x9B80  }
0x193: {  	[tilespmem:s25], [sflag:$0x2] =	stream.indirect_vreg.gather [hbm4b:s12+s5], $0x80, v4, vm0, $0xb8;
	[tilespmem:$0x14380] =	vst v63  }
0x194: {  	s26 =	simm.s32 $0xA380  }
0x195: {  	[tilespmem:s26], [sflag:$0x2] =	stream.indirect_vreg.gather [hbm4b:s1+s5], $0x80, v3, vm0, $0xb8;
	[tilespmem:$0x14380] =	vst v63  }
0x196: {  	s28 =	simm.s32 $0xAB80  }
0x197: {  	[tilespmem:s28], [sflag:$0x2] =	stream.indirect_vreg.gather [hbm4b:s10+s5], $0x80, v3, vm0, $0xb8;
	[tilespmem:$0x14380] =	vst v63  }
.Ltmp5:
0x198: {  	_ = 	snop;
	(pc) =	sbr.rel .LBB2_2-.Ltmp5, $4  }
0x199: {  	s29 =	simm.s32 $0xB380  }
0x19a: {  	[tilespmem:s29], [sflag:$0x2] =	stream.indirect_vreg.gather [hbm4b:s11+s5], $0x80, v3, vm0, $0xb8;
	[tilespmem:$0x14380] =	vst v63  }
0x19b: {  	s30 =	simm.s32 $0xBB80;
	s14 =	sadd.s32 $0x1, s14  }
0x19c: {  	[tilespmem:s30], [sflag:$0x2] =	stream.indirect_vreg.gather [hbm4b:s12+s5], $0x80, v3, vm0, $0xb8;
	[tilespmem:$0x14380] =	vst v63  }
.LBB2_9:
0x19d: {  	_ =	sfence.sel $0x180000  }
0x19e: {  	[bflag:$0x0] =	sbarrier.arrive $0xFFFF  }
0x19f: {  	_ =	strace $0x90000047  }
0x1a0: {  	s0 =	stileid.u32;
	[bflag:$0x2] =	sbarrier.arrive $0xFFFF  }
0x1a1: {  	p0 =	sne.s32 s0, $0x0;
	s0 =	rddreg [dreg:$0x4]  }
0x1a2: {  	s0 =	sadd.s32 @!p0 $0x100000, s0  }
0x1a3: {  	[sflag:s0] =	ssyncadd.tile.s32 @!p0 $0x1;
	_ =	shalt  }
.Lfunc_end2:
_tile_overlayer_lowered:
.L_overlay_start_2:
0x1a4: {  	(tag) =	ssettag $0x2  }
0x1a5: {  	s0 =	rddreg [dreg:$0x0];
	s2 =	stileid.u32  }
0x1a6: {  	s1 =	rddreg [dreg:$0x1];
	p0 =	sne.s32 s2, $0x0  }
0x1a7: {  	s3 =	rddreg [dreg:$0x2];
	[bflag:$0x3] =	sbarrier.arrive $0xFFFF;
	s2 =	simm.s32 @!p0 $0x1C07  }
0x1a8: {  	[timem:s3], [sflag:s2] =	dma.local @!p0 [hbm:s0], s1  }
0x1a9: {  	s0 =	simm.s32 @!p0 $0x7  }
0x1aa: {  	_ =	swait.ge @!p0 [sflag:s0], s1  }
0x1ab: {  	s1 =	ssub.s32 @!p0 $0x0, s1;
	[sflag:s0] =	ssyncset.done @!p0 $0x0  }
0x1ac: {  	[sflag:s0] =	ssyncadd.s32 @!p0 s1  }
0x1ad: {  	[bflag:$0x3] =	sbarrier.arrive $0xFFFF  }
0x1ae: {  	_ =	shalt  }

</sc_bundles>
